<compile_context>
chip_gen: v7x
topology: tpu7x:2x2x1
jax: 0.10.2.dev20260603
libtpu: 0.0.44.dev20260713+nightly
codegen_flags: <defaults>
</compile_context>

<pallas_src>
import dataclasses
import functools
import jax
import jax.numpy as jnp
from jax import lax
from jax.experimental import pallas as pl
from jax.experimental.pallas import tpu as pltpu
from jax.experimental.pallas import tpu_sc as plsc

_N = 20000
_L = 16
_NS = 16
_ROWS = 79
_PER = _ROWS * _L
_NP = _NS * _PER
_MAX_DET = 100
_SCORE_THRESH = 0.05
_NMS_THRESH = 0.5
_BIG_I = 1 << 30
_MAGIC = -((-1 << 25) // _PER)
assert all((i * _MAGIC) >> 25 == i // _PER for i in range(_NP))


def _nms_body(s_hbm, x1_hbm, y1_hbm, x2_hbm, y2_hbm, out_hbm,
              sw_v, x1_v, y1_v, x2_v, y2_v, ar_v,
              pub_v, shared_v, cand_v, out_v, sem):
    c = lax.axis_index("c")
    s = lax.axis_index("s")
    base = s * _PER
    iot = lax.iota(jnp.int32, _L)
    ninf = jnp.float32(-jnp.inf)

    cps = [pltpu.async_copy(h.at[s], v, sem)
           for h, v in ((s_hbm, sw_v), (x1_hbm, x1_v), (y1_hbm, y1_v),
                        (x2_hbm, x2_v), (y2_hbm, y2_v))]
    for cp in cps:
        cp.wait()

    def publish(bv, bi, buf_row):
        m_v = jnp.broadcast_to(jnp.max(bv), (_L,))
        li_v = jnp.broadcast_to(
            jnp.min(jnp.where(bv == m_v, bi, jnp.int32(_BIG_I))), (_L,))
        loc_v = li_v - base
        rowv = lax.shift_right_arithmetic(loc_v, 4)
        offv = lax.bitwise_and(loc_v, 15)
        gx1 = plsc.load_gather(x1_v, [rowv, offv])
        gy1 = plsc.load_gather(y1_v, [rowv, offv])
        gx2 = plsc.load_gather(x2_v, [rowv, offv])
        gy2 = plsc.load_gather(y2_v, [rowv, offv])
        data = jnp.where(iot == 0, gx1,
               jnp.where(iot == 1, gy1,
               jnp.where(iot == 2, gx2, gy2)))
        pub_v[0, 0:_L] = m_v
        pub_v[0, _L:2 * _L] = plsc.bitcast(li_v, jnp.float32)
        pub_v[0, 2 * _L:3 * _L] = data
        pltpu.sync_copy(pub_v, shared_v.at[pl.ds(buf_row + s, 1)])

    def prep(r, carry):
        bv, bi = carry
        v = sw_v[r]
        sw = jnp.where(v > _SCORE_THRESH, v, ninf)
        sw_v[r] = sw
        ar_v[r] = (x2_v[r] - x1_v[r]) * (y2_v[r] - y1_v[r])
        cond = sw > bv
        idxv = iot + (base + r * _L)
        return jnp.where(cond, sw, bv), jnp.where(cond, idxv, bi)

    bv0 = jnp.full((_L,), ninf, jnp.float32)
    bi0 = jnp.full((_L,), base, jnp.int32)
    bv, bi = lax.fori_loop(0, _ROWS, prep, (bv0, bi0))
    publish(bv, bi, jnp.int32(0))

    zero_v = jnp.zeros((_L,), jnp.int32)
    one_v = jnp.full((_L,), _L, jnp.int32)

    @pl.loop(0, _MAX_DET)
    def _round(it):
        roff = lax.bitwise_and(it, 1) * _NS
        plsc.subcore_barrier()
        pltpu.sync_copy(shared_v.at[pl.ds(roff, _NS)], cand_v)

        val_vec = plsc.load_gather(cand_v, [iot, zero_v])
        idx_vec = plsc.bitcast(plsc.load_gather(cand_v, [iot, one_v]),
                               jnp.int32)
        wv = jnp.broadcast_to(jnp.max(val_vec), (_L,))
        tie = val_vec == wv
        wi = jnp.broadcast_to(
            jnp.min(jnp.where(tie, idx_vec, jnp.int32(_BIG_I))), (_L,))
        tw = lax.shift_right_logical(wi * jnp.int32(_MAGIC), 25)

        def fld(k):
            return plsc.load_gather(
                cand_v, [tw, jnp.full((_L,), 2 * _L + k, jnp.int32)])
        wx1, wy1, wx2, wy2 = fld(0), fld(1), fld(2), fld(3)
        wa = (wx2 - wx1) * (wy2 - wy1)

        out_v[it] = jnp.where(iot == 0, wx1,
                    jnp.where(iot == 1, wy1,
                    jnp.where(iot == 2, wx2,
                    jnp.where(iot == 3, wy2, wv))))

        lv = jnp.clip(wi - base, 0, _PER - 1)
        owner = (wi >= base) & (wi < base + _PER)
        plsc.store_scatter(
            sw_v,
            [lax.shift_right_arithmetic(lv, 4), lax.bitwise_and(lv, 15)],
            jnp.full((_L,), ninf, jnp.float32),
            mask=owner & (iot == 0))

        def sweep(r, carry):
            bv, bi = carry
            ix1 = jnp.maximum(wx1, x1_v[r])
            iy1 = jnp.maximum(wy1, y1_v[r])
            ix2 = jnp.minimum(wx2, x2_v[r])
            iy2 = jnp.minimum(wy2, y2_v[r])
            inter = jnp.maximum(ix2 - ix1, 0.0) * jnp.maximum(iy2 - iy1, 0.0)
            union = wa + ar_v[r] - inter + jnp.float32(1e-6)
            iou = inter / union
            idxv = iot + (base + r * _L)
            supp = iou > _NMS_THRESH
            sw = jnp.where(supp, ninf, sw_v[r])
            sw_v[r] = sw
            cond = sw > bv
            return jnp.where(cond, sw, bv), jnp.where(cond, idxv, bi)

        bv, bi = lax.fori_loop(0, _ROWS, sweep, (bv0, bi0))
        publish(bv, bi, _NS - roff)

    @pl.when((c == 0) & (s == 0))
    def _store():
        pltpu.sync_copy(out_v, out_hbm)


@jax.jit
def kernel(boxes, scores):
    pad = _NP - _N
    s_p = jnp.concatenate([scores, jnp.zeros((pad,), jnp.float32)])
    b_p = jnp.concatenate([boxes, jnp.zeros((pad, 4), jnp.float32)], axis=0)
    s3 = s_p.reshape(_NS, _ROWS, _L)
    x1 = b_p[:, 0].reshape(_NS, _ROWS, _L)
    y1 = b_p[:, 1].reshape(_NS, _ROWS, _L)
    x2 = b_p[:, 2].reshape(_NS, _ROWS, _L)
    y2 = b_p[:, 3].reshape(_NS, _ROWS, _L)

    cp = pltpu.CompilerParams()
    if "needs_layout_passes" in pltpu.CompilerParams.__dataclass_fields__:
        cp = dataclasses.replace(cp, needs_layout_passes=False)
    mesh = plsc.VectorSubcoreMesh(core_axis_name="c", subcore_axis_name="s")
    f = pl.kernel(
        _nms_body,
        out_type=jax.ShapeDtypeStruct((_MAX_DET, _L), jnp.float32),
        mesh=mesh,
        compiler_params=cp,
        scratch_types=[
            pltpu.VMEM((_ROWS, _L), jnp.float32),
            pltpu.VMEM((_ROWS, _L), jnp.float32),
            pltpu.VMEM((_ROWS, _L), jnp.float32),
            pltpu.VMEM((_ROWS, _L), jnp.float32),
            pltpu.VMEM((_ROWS, _L), jnp.float32),
            pltpu.VMEM((_ROWS, _L), jnp.float32),
            pltpu.VMEM((1, 128), jnp.float32),
            pltpu.VMEM_SHARED((2 * _NS, 128), jnp.float32),
            pltpu.VMEM((_NS, 128), jnp.float32),
            pltpu.VMEM((_MAX_DET, _L), jnp.float32),
            pltpu.SemaphoreType.DMA,
        ],
    )
    out = f(s3, x1, y1, x2, y2)
    res = out[:, :5]
    score = jnp.where(jnp.isneginf(res[:, 4:5]), scores[0], res[:, 4:5])
    return jnp.concatenate([res[:, :4], score], axis=1)

# --- scband reference (transcript-rebuilt; emitter-appended) ---
"""Pipeline reference for scband-faster-rcnn-34394098106605 (READ-ONLY COPY).

The authoritative reference and input builder live on the scoring server;
editing this copy changes nothing except your own understanding.
"""

import jax, jax.numpy as jnp
import numpy as np

N = 20000
SCORE_THRESH = 0.05
NMS_THRESH = 0.5
MAX_DET = 100


def setup_inputs(seed: int = 0) -> dict:
    key = jax.random.key(seed)
    k1, k2, k3 = jax.random.split(key, 3)
    # build valid xyxy boxes inside a 1333x800 canvas from uniform fills
    cxcy = jax.random.uniform(k1, (N, 2), dtype=jnp.float32) * jnp.array([1333.0, 800.0], dtype=jnp.float32)
    wh = jax.random.uniform(k2, (N, 2), dtype=jnp.float32) * 180.0 + 8.0
    boxes = jnp.concatenate([cxcy - wh / 2.0, cxcy + wh / 2.0], axis=1)
    scores = jax.random.uniform(k3, (N,), dtype=jnp.float32)
    return {"boxes": boxes, "scores": scores}


def _iou_one_vs_all(box, boxes):
    x1 = jnp.maximum(box[0], boxes[:, 0])
    y1 = jnp.maximum(box[1], boxes[:, 1])
    x2 = jnp.minimum(box[2], boxes[:, 2])
    y2 = jnp.minimum(box[3], boxes[:, 3])
    inter = jnp.clip(x2 - x1, 0.0) * jnp.clip(y2 - y1, 0.0)
    area_a = (box[2] - box[0]) * (box[3] - box[1])
    area_b = (boxes[:, 2] - boxes[:, 0]) * (boxes[:, 3] - boxes[:, 1])
    return inter / (area_a + area_b - inter + 1e-6)


def reference(boxes, scores):
    # score-threshold filter (RoIHeads.postprocess_detections) then greedy NMS
    s = jnp.where(scores > SCORE_THRESH, scores, -jnp.inf)

    def body(i, state):
        sw, keep = state
        idx = jnp.argmax(sw)
        keep = keep.at[i].set(idx.astype(jnp.int32))
        ious = _iou_one_vs_all(boxes[idx], boxes)
        suppress = (ious > NMS_THRESH) | (jnp.arange(N) == idx)
        sw = jnp.where(suppress, -jnp.inf, sw)
        return (sw, keep)

    init = (s, jnp.zeros((MAX_DET,), dtype=jnp.int32))
    _, keep = jax.lax.fori_loop(0, MAX_DET, body, init)
    boxes_out = jnp.take(boxes, keep, axis=0)
    scores_out = jnp.take(scores, keep, axis=0)
    return jnp.concatenate([boxes_out, scores_out[:, None]], axis=1)

if __name__ == "__main__":
    import jax
    _d = setup_inputs()
    print(jax.jit(kernel)(*tuple(_d.values())))

</pallas_src>

<mosaic_0001>
#map = affine_map<(d0, d1) -> (0, 0, 0)>
#map1 = affine_map<(d0, d1) -> (0, 0)>
module attributes {stable_mosaic.version = 14 : i64} {
  func.func @_nms_body(%arg0: i32, %arg1: i32, %arg2: memref<16x79x16xf32, #tpu.memory_space<hbm>>, %arg3: memref<16x79x16xf32, #tpu.memory_space<hbm>>, %arg4: memref<16x79x16xf32, #tpu.memory_space<hbm>>, %arg5: memref<16x79x16xf32, #tpu.memory_space<hbm>>, %arg6: memref<16x79x16xf32, #tpu.memory_space<hbm>>, %arg7: memref<100x16xf32, #tpu.memory_space<hbm>>, %arg8: memref<79x16xf32, #tpu.memory_space<vmem>>, %arg9: memref<79x16xf32, #tpu.memory_space<vmem>>, %arg10: memref<79x16xf32, #tpu.memory_space<vmem>>, %arg11: memref<79x16xf32, #tpu.memory_space<vmem>>, %arg12: memref<79x16xf32, #tpu.memory_space<vmem>>, %arg13: memref<79x16xf32, #tpu.memory_space<vmem>>, %arg14: memref<1x128xf32, #tpu.memory_space<vmem>>, %arg15: memref<32x128xf32, #tpu.memory_space<vmem_shared>>, %arg16: memref<16x128xf32, #tpu.memory_space<vmem>>, %arg17: memref<100x16xf32, #tpu.memory_space<vmem>>, %arg18: memref<!tpu.dma_semaphore, #tpu.memory_space<semaphore_mem>>) attributes {dimension_semantics = [#tpu.dimension_semantics<core_parallel>, #tpu.dimension_semantics<subcore_parallel>], iteration_bounds = array<i64: 2, 16>, scalar_prefetch = 0 : i64, scratch_operands = 11 : i64, tpu.core_type = #tpu.core_type<sc_vector_subcore>, window_params = [{transform_indices = #map}, {transform_indices = #map}, {transform_indices = #map}, {transform_indices = #map}, {transform_indices = #map}, {transform_indices = #map1}]} {
    %mul3A = arith.constant 1264 : i32
    %mul3A_0 = arith.muli %arg1, %mul3A : i32
    %iota3A = tpu.iota {dimensions = array<i32: 0>} : vector<16xi32>
    %dma_start3A = arith.constant 0 : i32
    %dma_start3A_1 = arith.constant 0 : i32
    %dma_start3A_2 = tpu.memref_slice %arg2[%arg1, %dma_start3A, %dma_start3A_1] : memref<16x79x16xf32, #tpu.memory_space<hbm>> -> memref<1x79x16xf32, #tpu.memory_space<hbm>>
    %dma_start3A_3 = tpu.memref_squeeze %dma_start3A_2 : memref<1x79x16xf32, #tpu.memory_space<hbm>> -> memref<79x16xf32, #tpu.memory_space<hbm>>
    %dma_start3A_4 = arith.constant 0 : i32
    %dma_start3A_5 = arith.constant 0 : i32
    %dma_start3A_6 = tpu.memref_slice %arg2[%arg1, %dma_start3A_4, %dma_start3A_5] : memref<16x79x16xf32, #tpu.memory_space<hbm>> -> memref<1x79x16xf32, #tpu.memory_space<hbm>>
    %dma_start3A_7 = tpu.memref_squeeze %dma_start3A_6 : memref<1x79x16xf32, #tpu.memory_space<hbm>> -> memref<79x16xf32, #tpu.memory_space<hbm>>
    tpu.enqueue_dma source(%dma_start3A_7 : memref<79x16xf32, #tpu.memory_space<hbm>>) target(%arg8 : memref<79x16xf32, #tpu.memory_space<vmem>>) target_semaphore(%arg18 : memref<!tpu.dma_semaphore, #tpu.memory_space<semaphore_mem>>)
    %dma_start3A_8 = arith.constant 0 : i32
    %dma_start3A_9 = arith.constant 0 : i32
    %dma_start3A_10 = tpu.memref_slice %arg3[%arg1, %dma_start3A_8, %dma_start3A_9] : memref<16x79x16xf32, #tpu.memory_space<hbm>> -> memref<1x79x16xf32, #tpu.memory_space<hbm>>
    %dma_start3A_11 = tpu.memref_squeeze %dma_start3A_10 : memref<1x79x16xf32, #tpu.memory_space<hbm>> -> memref<79x16xf32, #tpu.memory_space<hbm>>
    %dma_start3A_12 = arith.constant 0 : i32
    %dma_start3A_13 = arith.constant 0 : i32
    %dma_start3A_14 = tpu.memref_slice %arg3[%arg1, %dma_start3A_12, %dma_start3A_13] : memref<16x79x16xf32, #tpu.memory_space<hbm>> -> memref<1x79x16xf32, #tpu.memory_space<hbm>>
    %dma_start3A_15 = tpu.memref_squeeze %dma_start3A_14 : memref<1x79x16xf32, #tpu.memory_space<hbm>> -> memref<79x16xf32, #tpu.memory_space<hbm>>
    tpu.enqueue_dma source(%dma_start3A_15 : memref<79x16xf32, #tpu.memory_space<hbm>>) target(%arg9 : memref<79x16xf32, #tpu.memory_space<vmem>>) target_semaphore(%arg18 : memref<!tpu.dma_semaphore, #tpu.memory_space<semaphore_mem>>)
    %dma_start3A_16 = arith.constant 0 : i32
    %dma_start3A_17 = arith.constant 0 : i32
    %dma_start3A_18 = tpu.memref_slice %arg4[%arg1, %dma_start3A_16, %dma_start3A_17] : memref<16x79x16xf32, #tpu.memory_space<hbm>> -> memref<1x79x16xf32, #tpu.memory_space<hbm>>
    %dma_start3A_19 = tpu.memref_squeeze %dma_start3A_18 : memref<1x79x16xf32, #tpu.memory_space<hbm>> -> memref<79x16xf32, #tpu.memory_space<hbm>>
    %dma_start3A_20 = arith.constant 0 : i32
    %dma_start3A_21 = arith.constant 0 : i32
    %dma_start3A_22 = tpu.memref_slice %arg4[%arg1, %dma_start3A_20, %dma_start3A_21] : memref<16x79x16xf32, #tpu.memory_space<hbm>> -> memref<1x79x16xf32, #tpu.memory_space<hbm>>
    %dma_start3A_23 = tpu.memref_squeeze %dma_start3A_22 : memref<1x79x16xf32, #tpu.memory_space<hbm>> -> memref<79x16xf32, #tpu.memory_space<hbm>>
    tpu.enqueue_dma source(%dma_start3A_23 : memref<79x16xf32, #tpu.memory_space<hbm>>) target(%arg10 : memref<79x16xf32, #tpu.memory_space<vmem>>) target_semaphore(%arg18 : memref<!tpu.dma_semaphore, #tpu.memory_space<semaphore_mem>>)
    %dma_start3A_24 = arith.constant 0 : i32
    %dma_start3A_25 = arith.constant 0 : i32
    %dma_start3A_26 = tpu.memref_slice %arg5[%arg1, %dma_start3A_24, %dma_start3A_25] : memref<16x79x16xf32, #tpu.memory_space<hbm>> -> memref<1x79x16xf32, #tpu.memory_space<hbm>>
    %dma_start3A_27 = tpu.memref_squeeze %dma_start3A_26 : memref<1x79x16xf32, #tpu.memory_space<hbm>> -> memref<79x16xf32, #tpu.memory_space<hbm>>
    %dma_start3A_28 = arith.constant 0 : i32
    %dma_start3A_29 = arith.constant 0 : i32
    %dma_start3A_30 = tpu.memref_slice %arg5[%arg1, %dma_start3A_28, %dma_start3A_29] : memref<16x79x16xf32, #tpu.memory_space<hbm>> -> memref<1x79x16xf32, #tpu.memory_space<hbm>>
    %dma_start3A_31 = tpu.memref_squeeze %dma_start3A_30 : memref<1x79x16xf32, #tpu.memory_space<hbm>> -> memref<79x16xf32, #tpu.memory_space<hbm>>
    tpu.enqueue_dma source(%dma_start3A_31 : memref<79x16xf32, #tpu.memory_space<hbm>>) target(%arg11 : memref<79x16xf32, #tpu.memory_space<vmem>>) target_semaphore(%arg18 : memref<!tpu.dma_semaphore, #tpu.memory_space<semaphore_mem>>)
    %dma_start3A_32 = arith.constant 0 : i32
    %dma_start3A_33 = arith.constant 0 : i32
    %dma_start3A_34 = tpu.memref_slice %arg6[%arg1, %dma_start3A_32, %dma_start3A_33] : memref<16x79x16xf32, #tpu.memory_space<hbm>> -> memref<1x79x16xf32, #tpu.memory_space<hbm>>
    %dma_start3A_35 = tpu.memref_squeeze %dma_start3A_34 : memref<1x79x16xf32, #tpu.memory_space<hbm>> -> memref<79x16xf32, #tpu.memory_space<hbm>>
    %dma_start3A_36 = arith.constant 0 : i32
    %dma_start3A_37 = arith.constant 0 : i32
    %dma_start3A_38 = tpu.memref_slice %arg6[%arg1, %dma_start3A_36, %dma_start3A_37] : memref<16x79x16xf32, #tpu.memory_space<hbm>> -> memref<1x79x16xf32, #tpu.memory_space<hbm>>
    %dma_start3A_39 = tpu.memref_squeeze %dma_start3A_38 : memref<1x79x16xf32, #tpu.memory_space<hbm>> -> memref<79x16xf32, #tpu.memory_space<hbm>>
    tpu.enqueue_dma source(%dma_start3A_39 : memref<79x16xf32, #tpu.memory_space<hbm>>) target(%arg12 : memref<79x16xf32, #tpu.memory_space<vmem>>) target_semaphore(%arg18 : memref<!tpu.dma_semaphore, #tpu.memory_space<semaphore_mem>>)
    %dma_wait3A = arith.constant 0 : i32
    %dma_wait3A_40 = arith.constant 0 : i32
    %dma_wait3A_41 = tpu.memref_slice %arg2[%arg1, %dma_wait3A, %dma_wait3A_40] : memref<16x79x16xf32, #tpu.memory_space<hbm>> -> memref<1x79x16xf32, #tpu.memory_space<hbm>>
    %dma_wait3A_42 = tpu.memref_squeeze %dma_wait3A_41 : memref<1x79x16xf32, #tpu.memory_space<hbm>> -> memref<79x16xf32, #tpu.memory_space<hbm>>
    %dma_wait3A_43 = arith.constant 0 : i32
    %dma_wait3A_44 = arith.constant 0 : i32
    %dma_wait3A_45 = tpu.memref_slice %arg2[%arg1, %dma_wait3A_43, %dma_wait3A_44] : memref<16x79x16xf32, #tpu.memory_space<hbm>> -> memref<1x79x16xf32, #tpu.memory_space<hbm>>
    %dma_wait3A_46 = tpu.memref_squeeze %dma_wait3A_45 : memref<1x79x16xf32, #tpu.memory_space<hbm>> -> memref<79x16xf32, #tpu.memory_space<hbm>>
    tpu.wait_dma2 semaphore(%arg18 : memref<!tpu.dma_semaphore, #tpu.memory_space<semaphore_mem>>) src(%dma_wait3A_46 : memref<79x16xf32, #tpu.memory_space<hbm>>) dst(%arg8 : memref<79x16xf32, #tpu.memory_space<vmem>>)
    %dma_wait3A_47 = arith.constant 0 : i32
    %dma_wait3A_48 = arith.constant 0 : i32
    %dma_wait3A_49 = tpu.memref_slice %arg3[%arg1, %dma_wait3A_47, %dma_wait3A_48] : memref<16x79x16xf32, #tpu.memory_space<hbm>> -> memref<1x79x16xf32, #tpu.memory_space<hbm>>
    %dma_wait3A_50 = tpu.memref_squeeze %dma_wait3A_49 : memref<1x79x16xf32, #tpu.memory_space<hbm>> -> memref<79x16xf32, #tpu.memory_space<hbm>>
    %dma_wait3A_51 = arith.constant 0 : i32
    %dma_wait3A_52 = arith.constant 0 : i32
    %dma_wait3A_53 = tpu.memref_slice %arg3[%arg1, %dma_wait3A_51, %dma_wait3A_52] : memref<16x79x16xf32, #tpu.memory_space<hbm>> -> memref<1x79x16xf32, #tpu.memory_space<hbm>>
    %dma_wait3A_54 = tpu.memref_squeeze %dma_wait3A_53 : memref<1x79x16xf32, #tpu.memory_space<hbm>> -> memref<79x16xf32, #tpu.memory_space<hbm>>
    tpu.wait_dma2 semaphore(%arg18 : memref<!tpu.dma_semaphore, #tpu.memory_space<semaphore_mem>>) src(%dma_wait3A_54 : memref<79x16xf32, #tpu.memory_space<hbm>>) dst(%arg9 : memref<79x16xf32, #tpu.memory_space<vmem>>)
    %dma_wait3A_55 = arith.constant 0 : i32
    %dma_wait3A_56 = arith.constant 0 : i32
    %dma_wait3A_57 = tpu.memref_slice %arg4[%arg1, %dma_wait3A_55, %dma_wait3A_56] : memref<16x79x16xf32, #tpu.memory_space<hbm>> -> memref<1x79x16xf32, #tpu.memory_space<hbm>>
    %dma_wait3A_58 = tpu.memref_squeeze %dma_wait3A_57 : memref<1x79x16xf32, #tpu.memory_space<hbm>> -> memref<79x16xf32, #tpu.memory_space<hbm>>
    %dma_wait3A_59 = arith.constant 0 : i32
    %dma_wait3A_60 = arith.constant 0 : i32
    %dma_wait3A_61 = tpu.memref_slice %arg4[%arg1, %dma_wait3A_59, %dma_wait3A_60] : memref<16x79x16xf32, #tpu.memory_space<hbm>> -> memref<1x79x16xf32, #tpu.memory_space<hbm>>
    %dma_wait3A_62 = tpu.memref_squeeze %dma_wait3A_61 : memref<1x79x16xf32, #tpu.memory_space<hbm>> -> memref<79x16xf32, #tpu.memory_space<hbm>>
    tpu.wait_dma2 semaphore(%arg18 : memref<!tpu.dma_semaphore, #tpu.memory_space<semaphore_mem>>) src(%dma_wait3A_62 : memref<79x16xf32, #tpu.memory_space<hbm>>) dst(%arg10 : memref<79x16xf32, #tpu.memory_space<vmem>>)
    %dma_wait3A_63 = arith.constant 0 : i32
    %dma_wait3A_64 = arith.constant 0 : i32
    %dma_wait3A_65 = tpu.memref_slice %arg5[%arg1, %dma_wait3A_63, %dma_wait3A_64] : memref<16x79x16xf32, #tpu.memory_space<hbm>> -> memref<1x79x16xf32, #tpu.memory_space<hbm>>
    %dma_wait3A_66 = tpu.memref_squeeze %dma_wait3A_65 : memref<1x79x16xf32, #tpu.memory_space<hbm>> -> memref<79x16xf32, #tpu.memory_space<hbm>>
    %dma_wait3A_67 = arith.constant 0 : i32
    %dma_wait3A_68 = arith.constant 0 : i32
    %dma_wait3A_69 = tpu.memref_slice %arg5[%arg1, %dma_wait3A_67, %dma_wait3A_68] : memref<16x79x16xf32, #tpu.memory_space<hbm>> -> memref<1x79x16xf32, #tpu.memory_space<hbm>>
    %dma_wait3A_70 = tpu.memref_squeeze %dma_wait3A_69 : memref<1x79x16xf32, #tpu.memory_space<hbm>> -> memref<79x16xf32, #tpu.memory_space<hbm>>
    tpu.wait_dma2 semaphore(%arg18 : memref<!tpu.dma_semaphore, #tpu.memory_space<semaphore_mem>>) src(%dma_wait3A_70 : memref<79x16xf32, #tpu.memory_space<hbm>>) dst(%arg11 : memref<79x16xf32, #tpu.memory_space<vmem>>)
    %dma_wait3A_71 = arith.constant 0 : i32
    %dma_wait3A_72 = arith.constant 0 : i32
    %dma_wait3A_73 = tpu.memref_slice %arg6[%arg1, %dma_wait3A_71, %dma_wait3A_72] : memref<16x79x16xf32, #tpu.memory_space<hbm>> -> memref<1x79x16xf32, #tpu.memory_space<hbm>>
    %dma_wait3A_74 = tpu.memref_squeeze %dma_wait3A_73 : memref<1x79x16xf32, #tpu.memory_space<hbm>> -> memref<79x16xf32, #tpu.memory_space<hbm>>
    %dma_wait3A_75 = arith.constant 0 : i32
    %dma_wait3A_76 = arith.constant 0 : i32
    %dma_wait3A_77 = tpu.memref_slice %arg6[%arg1, %dma_wait3A_75, %dma_wait3A_76] : memref<16x79x16xf32, #tpu.memory_space<hbm>> -> memref<1x79x16xf32, #tpu.memory_space<hbm>>
    %dma_wait3A_78 = tpu.memref_squeeze %dma_wait3A_77 : memref<1x79x16xf32, #tpu.memory_space<hbm>> -> memref<79x16xf32, #tpu.memory_space<hbm>>
    tpu.wait_dma2 semaphore(%arg18 : memref<!tpu.dma_semaphore, #tpu.memory_space<semaphore_mem>>) src(%dma_wait3A_78 : memref<79x16xf32, #tpu.memory_space<hbm>>) dst(%arg12 : memref<79x16xf32, #tpu.memory_space<vmem>>)
    %broadcast_in_dim3A = arith.constant 0xFF800000 : f32
    %broadcast_in_dim3A_79 = vector.broadcast %broadcast_in_dim3A : f32 to vector<16xf32>
    %broadcast_in_dim3A_80 = vector.broadcast %mul3A_0 : i32 to vector<16xi32>
    %scan3A = arith.constant 0xFF800000 : f32
    %scan3A_81 = arith.constant 0 : i32
    %scan3A_82 = arith.constant 79 : i32
    %scan3A_83 = arith.addi %scan3A_81, %scan3A_82 : i32
    %scan3A_84 = arith.constant 1 : i32
    %scan3A_85:2 = scf.for %scan3A_148 = %scan3A_81 to %scan3A_83 step %scan3A_84 iter_args(%scan3A_149 = %broadcast_in_dim3A_79, %scan3A_150 = %broadcast_in_dim3A_80) -> (vector<16xf32>, vector<16xi32>)  : i32 {
      %get3A = arith.index_cast %scan3A_148 : i32 to index
      %get3A_151 = arith.constant 0 : index
      %get3A_152 = tpu.vector_load %arg8[%get3A, %get3A_151] {strides = array<i32>} : memref<79x16xf32, #tpu.memory_space<vmem>>, vector<16xf32>,
      %gt3A = arith.constant 5.000000e-02 : f32
      %gt3A_153 = vector.broadcast %gt3A : f32 to vector<16xf32>
      %gt3A_154 = arith.cmpf ogt, %get3A_152, %gt3A_153 : vector<16xf32>
      %broadcast_in_dim3A_155 = vector.broadcast %scan3A : f32 to vector<16xf32>
      %select_n3A_156 = arith.select %gt3A_154, %get3A_152, %broadcast_in_dim3A_155 : vector<16xi1>, vector<16xf32>
      %swap3A_157 = arith.index_cast %scan3A_148 : i32 to index
      %swap3A_158 = arith.constant 0 : index
      %swap3A_159 = tpu.vector_load %arg8[%swap3A_157, %swap3A_158] {strides = array<i32>} : memref<79x16xf32, #tpu.memory_space<vmem>>, vector<16xf32>,
      tpu.vector_store %arg8[%swap3A_157, %swap3A_158], %select_n3A_156 {strides = array<i32>} : memref<79x16xf32, #tpu.memory_space<vmem>>, vector<16xf32>,
      %get3A_160 = arith.index_cast %scan3A_148 : i32 to index
      %get3A_161 = arith.constant 0 : index
      %get3A_162 = tpu.vector_load %arg11[%get3A_160, %get3A_161] {strides = array<i32>} : memref<79x16xf32, #tpu.memory_space<vmem>>, vector<16xf32>,
      %get3A_163 = arith.index_cast %scan3A_148 : i32 to index
      %get3A_164 = arith.constant 0 : index
      %get3A_165 = tpu.vector_load %arg9[%get3A_163, %get3A_164] {strides = array<i32>} : memref<79x16xf32, #tpu.memory_space<vmem>>, vector<16xf32>,
      %sub3A_166 = arith.subf %get3A_162, %get3A_165 : vector<16xf32>
      %get3A_167 = arith.index_cast %scan3A_148 : i32 to index
      %get3A_168 = arith.constant 0 : index
      %get3A_169 = tpu.vector_load %arg12[%get3A_167, %get3A_168] {strides = array<i32>} : memref<79x16xf32, #tpu.memory_space<vmem>>, vector<16xf32>,
      %get3A_170 = arith.index_cast %scan3A_148 : i32 to index
      %get3A_171 = arith.constant 0 : index
      %get3A_172 = tpu.vector_load %arg10[%get3A_170, %get3A_171] {strides = array<i32>} : memref<79x16xf32, #tpu.memory_space<vmem>>, vector<16xf32>,
      %sub3A_173 = arith.subf %get3A_169, %get3A_172 : vector<16xf32>
      %mul3A_174 = arith.mulf %sub3A_166, %sub3A_173 : vector<16xf32>
      %swap3A_175 = arith.index_cast %scan3A_148 : i32 to index
      %swap3A_176 = arith.constant 0 : index
      %swap3A_177 = tpu.vector_load %arg13[%swap3A_175, %swap3A_176] {strides = array<i32>} : memref<79x16xf32, #tpu.memory_space<vmem>>, vector<16xf32>,
      tpu.vector_store %arg13[%swap3A_175, %swap3A_176], %mul3A_174 {strides = array<i32>} : memref<79x16xf32, #tpu.memory_space<vmem>>, vector<16xf32>,
      %gt3A_178 = arith.cmpf ogt, %select_n3A_156, %scan3A_149 : vector<16xf32>
      %mul3A_179 = arith.constant 16 : i32
      %mul3A_180 = arith.muli %scan3A_148, %mul3A_179 : i32
      %add3A_181 = arith.addi %mul3A_0, %mul3A_180 : i32
      %add3A_182 = vector.broadcast %add3A_181 : i32 to vector<16xi32>
      %add3A_183 = arith.addi %iota3A, %add3A_182 : vector<16xi32>
      %select_n3A_184 = arith.select %gt3A_178, %select_n3A_156, %scan3A_149 : vector<16xi1>, vector<16xf32>
      %select_n3A_185 = arith.select %gt3A_178, %add3A_183, %scan3A_150 : vector<16xi1>, vector<16xi32>
      scf.yield %select_n3A_184, %select_n3A_185 : vector<16xf32>, vector<16xi32>
    }
    %scan3A_86 = arith.constant 79 : i32
    %reduce_max3A = arith.constant true
    %reduce_max3A_87 = vector.broadcast %reduce_max3A : i1 to vector<16xi1>
    %reduce_max3A_88 = tpu.scan <max>, %scan3A_85#0 masked %reduce_max3A_87 : vector<16xf32>, vector<16xi1> -> vector<16xf32>
    %reduce_max3A_89 = vector.extract %reduce_max3A_88[15] : f32 from vector<16xf32>
    %broadcast_in_dim3A_90 = vector.broadcast %reduce_max3A_89 : f32 to vector<16xf32>
    %eq3A = arith.cmpf oeq, %scan3A_85#0, %broadcast_in_dim3A_90 : vector<16xf32>
    %jit3A = arith.constant 1073741824 : i32
    %broadcast_in_dim3A_91 = vector.broadcast %jit3A : i32 to vector<16xi32>
    %select_n3A = arith.select %eq3A, %scan3A_85#1, %broadcast_in_dim3A_91 : vector<16xi1>, vector<16xi32>
    %reduce_min3A = arith.constant true
    %reduce_min3A_92 = vector.broadcast %reduce_min3A : i1 to vector<16xi1>
    %reduce_min3A_93 = arith.constant -2147483648 : i32
    %reduce_min3A_94 = vector.broadcast %reduce_min3A_93 : i32 to vector<16xi32>
    %reduce_min3A_95 = arith.xori %select_n3A, %reduce_min3A_94 : vector<16xi32>
    %reduce_min3A_96 = tpu.scan <min>, %reduce_min3A_95 masked %reduce_min3A_92 : vector<16xi32>, vector<16xi1> -> vector<16xi32>
    %reduce_min3A_97 = arith.xori %reduce_min3A_96, %reduce_min3A_94 : vector<16xi32>
    %reduce_min3A_98 = vector.extract %reduce_min3A_97[15] : i32 from vector<16xi32>
    %broadcast_in_dim3A_99 = vector.broadcast %reduce_min3A_98 : i32 to vector<16xi32>
    %sub3A = vector.broadcast %mul3A_0 : i32 to vector<16xi32>
    %sub3A_100 = arith.subi %broadcast_in_dim3A_99, %sub3A : vector<16xi32>
    %shift_right_arithmetic3A = arith.constant 4 : i32
    %shift_right_arithmetic3A_101 = vector.broadcast %shift_right_arithmetic3A : i32 to vector<16xi32>
    %shift_right_arithmetic3A_102 = arith.shrsi %sub3A_100, %shift_right_arithmetic3A_101 : vector<16xi32>
    %and3A = arith.constant 15 : i32
    %and3A_103 = vector.broadcast %and3A : i32 to vector<16xi32>
    %and3A_104 = arith.andi %sub3A_100, %and3A_103 : vector<16xi32>
    %gather3A = tpu.vector_load_idx %arg9[%shift_right_arithmetic3A_102, %and3A_104] : memref<79x16xf32, #tpu.memory_space<vmem>>[vector<16xi32>, vector<16xi32>], vector<16xf32>,
    %gather3A_105 = tpu.vector_load_idx %arg10[%shift_right_arithmetic3A_102, %and3A_104] : memref<79x16xf32, #tpu.memory_space<vmem>>[vector<16xi32>, vector<16xi32>], vector<16xf32>,
    %gather3A_106 = tpu.vector_load_idx %arg11[%shift_right_arithmetic3A_102, %and3A_104] : memref<79x16xf32, #tpu.memory_space<vmem>>[vector<16xi32>, vector<16xi32>], vector<16xf32>,
    %gather3A_107 = tpu.vector_load_idx %arg12[%shift_right_arithmetic3A_102, %and3A_104] : memref<79x16xf32, #tpu.memory_space<vmem>>[vector<16xi32>, vector<16xi32>], vector<16xf32>,
    %eq3A_108 = arith.constant 0 : i32
    %eq3A_109 = vector.broadcast %eq3A_108 : i32 to vector<16xi32>
    %eq3A_110 = arith.cmpi eq, %iota3A, %eq3A_109 : vector<16xi32>
    %eq3A_111 = arith.constant 1 : i32
    %eq3A_112 = vector.broadcast %eq3A_111 : i32 to vector<16xi32>
    %eq3A_113 = arith.cmpi eq, %iota3A, %eq3A_112 : vector<16xi32>
    %eq3A_114 = arith.constant 2 : i32
    %eq3A_115 = vector.broadcast %eq3A_114 : i32 to vector<16xi32>
    %eq3A_116 = arith.cmpi eq, %iota3A, %eq3A_115 : vector<16xi32>
    %select_n3A_117 = arith.select %eq3A_116, %gather3A_106, %gather3A_107 : vector<16xi1>, vector<16xf32>
    %select_n3A_118 = arith.select %eq3A_113, %gather3A_105, %select_n3A_117 : vector<16xi1>, vector<16xf32>
    %select_n3A_119 = arith.select %eq3A_110, %gather3A, %select_n3A_118 : vector<16xi1>, vector<16xf32>
    %swap3A = arith.constant 0 : i32
    %swap3A_120 = arith.index_cast %swap3A : i32 to index
    %swap3A_121 = arith.constant 0 : index
    %swap3A_122 = tpu.vector_load %arg14[%swap3A_120, %swap3A_121] {strides = array<i32>} : memref<1x128xf32, #tpu.memory_space<vmem>>, vector<16xf32>,
    tpu.vector_store %arg14[%swap3A_120, %swap3A_121], %broadcast_in_dim3A_90 {strides = array<i32>} : memref<1x128xf32, #tpu.memory_space<vmem>>, vector<16xf32>,
    %bitcast3A = vector.bitcast %broadcast_in_dim3A_99 : vector<16xi32> to vector<16xf32>
    %swap3A_123 = arith.constant 0 : i32
    %swap3A_124 = arith.index_cast %swap3A_123 : i32 to index
    %swap3A_125 = arith.constant 16 : index
    %swap3A_126 = tpu.vector_load %arg14[%swap3A_124, %swap3A_125] {strides = array<i32>} : memref<1x128xf32, #tpu.memory_space<vmem>>, vector<16xf32>,
    tpu.vector_store %arg14[%swap3A_124, %swap3A_125], %bitcast3A {strides = array<i32>} : memref<1x128xf32, #tpu.memory_space<vmem>>, vector<16xf32>,
    %swap3A_127 = arith.constant 0 : i32
    %swap3A_128 = arith.index_cast %swap3A_127 : i32 to index
    %swap3A_129 = arith.constant 32 : index
    %swap3A_130 = tpu.vector_load %arg14[%swap3A_128, %swap3A_129] {strides = array<i32>} : memref<1x128xf32, #tpu.memory_space<vmem>>, vector<16xf32>,
    tpu.vector_store %arg14[%swap3A_128, %swap3A_129], %select_n3A_119 {strides = array<i32>} : memref<1x128xf32, #tpu.memory_space<vmem>>, vector<16xf32>,
    %add3A = arith.constant 0 : i32
    %add3A_131 = arith.addi %add3A, %arg1 : i32
    "tpu.region"() ({
      %run_scoped3A = tpu.sem_alloc : memref<!tpu.dma_semaphore, #tpu.memory_space<semaphore_mem>>
      %dma_start3A_148 = arith.constant 0 : i32
      %dma_start3A_149 = tpu.memref_slice %arg15[%add3A_131, %dma_start3A_148] : memref<32x128xf32, #tpu.memory_space<vmem_shared>> -> memref<1x128xf32, #tpu.memory_space<vmem_shared>>
      %dma_start3A_150 = arith.constant 0 : i32
      %dma_start3A_151 = tpu.memref_slice %arg15[%add3A_131, %dma_start3A_150] : memref<32x128xf32, #tpu.memory_space<vmem_shared>> -> memref<1x128xf32, #tpu.memory_space<vmem_shared>>
      tpu.enqueue_dma source(%arg14 : memref<1x128xf32, #tpu.memory_space<vmem>>) target(%dma_start3A_151 : memref<1x128xf32, #tpu.memory_space<vmem_shared>>) target_semaphore(%run_scoped3A : memref<!tpu.dma_semaphore, #tpu.memory_space<semaphore_mem>>)
      %dma_wait3A_152 = arith.constant 0 : i32
      %dma_wait3A_153 = tpu.memref_slice %arg15[%add3A_131, %dma_wait3A_152] : memref<32x128xf32, #tpu.memory_space<vmem_shared>> -> memref<1x128xf32, #tpu.memory_space<vmem_shared>>
      %dma_wait3A_154 = arith.constant 0 : i32
      %dma_wait3A_155 = tpu.memref_slice %arg15[%add3A_131, %dma_wait3A_154] : memref<32x128xf32, #tpu.memory_space<vmem_shared>> -> memref<1x128xf32, #tpu.memory_space<vmem_shared>>
      tpu.wait_dma2 semaphore(%run_scoped3A : memref<!tpu.dma_semaphore, #tpu.memory_space<semaphore_mem>>) src(%arg14 : memref<1x128xf32, #tpu.memory_space<vmem>>) dst(%dma_wait3A_155 : memref<1x128xf32, #tpu.memory_space<vmem_shared>>)
      tpu.yield
    }) : () -> ()
    %broadcast_in_dim3A_132 = arith.constant 0 : i32
    %broadcast_in_dim3A_133 = vector.broadcast %broadcast_in_dim3A_132 : i32 to vector<16xi32>
    %broadcast_in_dim3A_134 = arith.constant 16 : i32
    %broadcast_in_dim3A_135 = vector.broadcast %broadcast_in_dim3A_134 : i32 to vector<16xi32>
    %scan3A_136 = arith.constant 0xFF800000 : f32
    %scan3A_137 = arith.constant 0 : i32
    %scan3A_138 = arith.constant 100 : i32
    %scan3A_139 = arith.addi %scan3A_137, %scan3A_138 : i32
    %scan3A_140 = arith.constant 1 : i32
    scf.for %scan3A_148 = %scan3A_137 to %scan3A_139 step %scan3A_140  : i32 {
      %mul3A_149 = arith.constant 1 : i32
      %mul3A_150 = arith.muli %scan3A_148, %mul3A_149 : i32
      %add3A_151 = arith.constant 0 : i32
      %add3A_152 = arith.addi %add3A_151, %mul3A_150 : i32
      %and3A_153 = arith.constant 1 : i32
      %and3A_154 = arith.andi %add3A_152, %and3A_153 : i32
      %mul3A_155 = arith.constant 16 : i32
      %mul3A_156 = arith.muli %and3A_154, %mul3A_155 : i32
      %barrier3A = arith.constant 0 : index
      tpu.barrier barrier_id(%barrier3A)
      "tpu.region"() ({
        %run_scoped3A = tpu.sem_alloc : memref<!tpu.dma_semaphore, #tpu.memory_space<semaphore_mem>>
        %dma_start3A_303 = arith.constant 0 : i32
        %dma_start3A_304 = tpu.memref_slice %arg15[%mul3A_156, %dma_start3A_303] : memref<32x128xf32, #tpu.memory_space<vmem_shared>> -> memref<16x128xf32, #tpu.memory_space<vmem_shared>>
        %dma_start3A_305 = arith.constant 0 : i32
        %dma_start3A_306 = tpu.memref_slice %arg15[%mul3A_156, %dma_start3A_305] : memref<32x128xf32, #tpu.memory_space<vmem_shared>> -> memref<16x128xf32, #tpu.memory_space<vmem_shared>>
        tpu.enqueue_dma source(%dma_start3A_306 : memref<16x128xf32, #tpu.memory_space<vmem_shared>>) target(%arg16 : memref<16x128xf32, #tpu.memory_space<vmem>>) target_semaphore(%run_scoped3A : memref<!tpu.dma_semaphore, #tpu.memory_space<semaphore_mem>>)
        %dma_wait3A_307 = arith.constant 0 : i32
        %dma_wait3A_308 = tpu.memref_slice %arg15[%mul3A_156, %dma_wait3A_307] : memref<32x128xf32, #tpu.memory_space<vmem_shared>> -> memref<16x128xf32, #tpu.memory_space<vmem_shared>>
        %dma_wait3A_309 = arith.constant 0 : i32
        %dma_wait3A_310 = tpu.memref_slice %arg15[%mul3A_156, %dma_wait3A_309] : memref<32x128xf32, #tpu.memory_space<vmem_shared>> -> memref<16x128xf32, #tpu.memory_space<vmem_shared>>
        tpu.wait_dma2 semaphore(%run_scoped3A : memref<!tpu.dma_semaphore, #tpu.memory_space<semaphore_mem>>) src(%dma_wait3A_310 : memref<16x128xf32, #tpu.memory_space<vmem_shared>>) dst(%arg16 : memref<16x128xf32, #tpu.memory_space<vmem>>)
        tpu.yield
      }) : () -> ()
      %gather3A_157 = tpu.vector_load_idx %arg16[%iota3A, %broadcast_in_dim3A_133] : memref<16x128xf32, #tpu.memory_space<vmem>>[vector<16xi32>, vector<16xi32>], vector<16xf32>,
      %gather3A_158 = tpu.vector_load_idx %arg16[%iota3A, %broadcast_in_dim3A_135] : memref<16x128xf32, #tpu.memory_space<vmem>>[vector<16xi32>, vector<16xi32>], vector<16xf32>,
      %bitcast3A_159 = vector.bitcast %gather3A_158 : vector<16xf32> to vector<16xi32>
      %reduce_max3A_160 = arith.constant true
      %reduce_max3A_161 = vector.broadcast %reduce_max3A_160 : i1 to vector<16xi1>
      %reduce_max3A_162 = tpu.scan <max>, %gather3A_157 masked %reduce_max3A_161 : vector<16xf32>, vector<16xi1> -> vector<16xf32>
      %reduce_max3A_163 = vector.extract %reduce_max3A_162[15] : f32 from vector<16xf32>
      %broadcast_in_dim3A_164 = vector.broadcast %reduce_max3A_163 : f32 to vector<16xf32>
      %eq3A_165 = arith.cmpf oeq, %gather3A_157, %broadcast_in_dim3A_164 : vector<16xf32>
      %jit3A_166 = arith.constant 1073741824 : i32
      %broadcast_in_dim3A_167 = vector.broadcast %jit3A_166 : i32 to vector<16xi32>
      %select_n3A_168 = arith.select %eq3A_165, %bitcast3A_159, %broadcast_in_dim3A_167 : vector<16xi1>, vector<16xi32>
      %reduce_min3A_169 = arith.constant true
      %reduce_min3A_170 = vector.broadcast %reduce_min3A_169 : i1 to vector<16xi1>
      %reduce_min3A_171 = arith.constant -2147483648 : i32
      %reduce_min3A_172 = vector.broadcast %reduce_min3A_171 : i32 to vector<16xi32>
      %reduce_min3A_173 = arith.xori %select_n3A_168, %reduce_min3A_172 : vector<16xi32>
      %reduce_min3A_174 = tpu.scan <min>, %reduce_min3A_173 masked %reduce_min3A_170 : vector<16xi32>, vector<16xi1> -> vector<16xi32>
      %reduce_min3A_175 = arith.xori %reduce_min3A_174, %reduce_min3A_172 : vector<16xi32>
      %reduce_min3A_176 = vector.extract %reduce_min3A_175[15] : i32 from vector<16xi32>
      %broadcast_in_dim3A_177 = vector.broadcast %reduce_min3A_176 : i32 to vector<16xi32>
      %mul3A_178 = arith.constant 26547 : i32
      %mul3A_179 = vector.broadcast %mul3A_178 : i32 to vector<16xi32>
      %mul3A_180 = arith.muli %broadcast_in_dim3A_177, %mul3A_179 : vector<16xi32>
      %shift_right_logical3A = arith.constant 25 : i32
      %shift_right_logical3A_181 = vector.broadcast %shift_right_logical3A : i32 to vector<16xi32>
      %shift_right_logical3A_182 = arith.shrui %mul3A_180, %shift_right_logical3A_181 : vector<16xi32>
      %broadcast_in_dim3A_183 = arith.constant 32 : i32
      %broadcast_in_dim3A_184 = vector.broadcast %broadcast_in_dim3A_183 : i32 to vector<16xi32>
      %gather3A_185 = tpu.vector_load_idx %arg16[%shift_right_logical3A_182, %broadcast_in_dim3A_184] : memref<16x128xf32, #tpu.memory_space<vmem>>[vector<16xi32>, vector<16xi32>], vector<16xf32>,
      %broadcast_in_dim3A_186 = arith.constant 33 : i32
      %broadcast_in_dim3A_187 = vector.broadcast %broadcast_in_dim3A_186 : i32 to vector<16xi32>
      %gather3A_188 = tpu.vector_load_idx %arg16[%shift_right_logical3A_182, %broadcast_in_dim3A_187] : memref<16x128xf32, #tpu.memory_space<vmem>>[vector<16xi32>, vector<16xi32>], vector<16xf32>,
      %broadcast_in_dim3A_189 = arith.constant 34 : i32
      %broadcast_in_dim3A_190 = vector.broadcast %broadcast_in_dim3A_189 : i32 to vector<16xi32>
      %gather3A_191 = tpu.vector_load_idx %arg16[%shift_right_logical3A_182, %broadcast_in_dim3A_190] : memref<16x128xf32, #tpu.memory_space<vmem>>[vector<16xi32>, vector<16xi32>], vector<16xf32>,
      %broadcast_in_dim3A_192 = arith.constant 35 : i32
      %broadcast_in_dim3A_193 = vector.broadcast %broadcast_in_dim3A_192 : i32 to vector<16xi32>
      %gather3A_194 = tpu.vector_load_idx %arg16[%shift_right_logical3A_182, %broadcast_in_dim3A_193] : memref<16x128xf32, #tpu.memory_space<vmem>>[vector<16xi32>, vector<16xi32>], vector<16xf32>,
      %sub3A_195 = arith.subf %gather3A_191, %gather3A_185 : vector<16xf32>
      %sub3A_196 = arith.subf %gather3A_194, %gather3A_188 : vector<16xf32>
      %mul3A_197 = arith.mulf %sub3A_195, %sub3A_196 : vector<16xf32>
      %eq3A_198 = arith.constant 0 : i32
      %eq3A_199 = vector.broadcast %eq3A_198 : i32 to vector<16xi32>
      %eq3A_200 = arith.cmpi eq, %iota3A, %eq3A_199 : vector<16xi32>
      %eq3A_201 = arith.constant 1 : i32
      %eq3A_202 = vector.broadcast %eq3A_201 : i32 to vector<16xi32>
      %eq3A_203 = arith.cmpi eq, %iota3A, %eq3A_202 : vector<16xi32>
      %eq3A_204 = arith.constant 2 : i32
      %eq3A_205 = vector.broadcast %eq3A_204 : i32 to vector<16xi32>
      %eq3A_206 = arith.cmpi eq, %iota3A, %eq3A_205 : vector<16xi32>
      %eq3A_207 = arith.constant 3 : i32
      %eq3A_208 = vector.broadcast %eq3A_207 : i32 to vector<16xi32>
      %eq3A_209 = arith.cmpi eq, %iota3A, %eq3A_208 : vector<16xi32>
      %select_n3A_210 = arith.select %eq3A_209, %gather3A_194, %broadcast_in_dim3A_164 : vector<16xi1>, vector<16xf32>
      %select_n3A_211 = arith.select %eq3A_206, %gather3A_191, %select_n3A_210 : vector<16xi1>, vector<16xf32>
      %select_n3A_212 = arith.select %eq3A_203, %gather3A_188, %select_n3A_211 : vector<16xi1>, vector<16xf32>
      %select_n3A_213 = arith.select %eq3A_200, %gather3A_185, %select_n3A_212 : vector<16xi1>, vector<16xf32>
      %swap3A_214 = arith.index_cast %add3A_152 : i32 to index
      %swap3A_215 = arith.constant 0 : index
      %swap3A_216 = tpu.vector_load %arg17[%swap3A_214, %swap3A_215] {strides = array<i32>} : memref<100x16xf32, #tpu.memory_space<vmem>>, vector<16xf32>,
      tpu.vector_store %arg17[%swap3A_214, %swap3A_215], %select_n3A_213 {strides = array<i32>} : memref<100x16xf32, #tpu.memory_space<vmem>>, vector<16xf32>,
      %sub3A_217 = vector.broadcast %mul3A_0 : i32 to vector<16xi32>
      %sub3A_218 = arith.subi %broadcast_in_dim3A_177, %sub3A_217 : vector<16xi32>
      %jit3A_219 = arith.constant 0 : i32
      %jit3A_220 = arith.constant 1263 : i32
      %max3A = vector.broadcast %jit3A_219 : i32 to vector<16xi32>
      %max3A_221 = arith.maxsi %max3A, %sub3A_218 : vector<16xi32>
      %min3A = vector.broadcast %jit3A_220 : i32 to vector<16xi32>
      %min3A_222 = arith.minsi %min3A, %max3A_221 : vector<16xi32>
      %ge3A = vector.broadcast %mul3A_0 : i32 to vector<16xi32>
      %ge3A_223 = arith.cmpi sge, %broadcast_in_dim3A_177, %ge3A : vector<16xi32>
      %add3A_224 = arith.constant 1264 : i32
      %add3A_225 = arith.addi %mul3A_0, %add3A_224 : i32
      %lt3A = vector.broadcast %add3A_225 : i32 to vector<16xi32>
      %lt3A_226 = arith.cmpi slt, %broadcast_in_dim3A_177, %lt3A : vector<16xi32>
      %and3A_227 = arith.andi %ge3A_223, %lt3A_226 : vector<16xi1>
      %shift_right_arithmetic3A_228 = arith.constant 4 : i32
      %shift_right_arithmetic3A_229 = vector.broadcast %shift_right_arithmetic3A_228 : i32 to vector<16xi32>
      %shift_right_arithmetic3A_230 = arith.shrsi %min3A_222, %shift_right_arithmetic3A_229 : vector<16xi32>
      %and3A_231 = arith.constant 15 : i32
      %and3A_232 = vector.broadcast %and3A_231 : i32 to vector<16xi32>
      %and3A_233 = arith.andi %min3A_222, %and3A_232 : vector<16xi32>
      %broadcast_in_dim3A_234 = vector.broadcast %scan3A_136 : f32 to vector<16xf32>
      %eq3A_235 = arith.constant 0 : i32
      %eq3A_236 = vector.broadcast %eq3A_235 : i32 to vector<16xi32>
      %eq3A_237 = arith.cmpi eq, %iota3A, %eq3A_236 : vector<16xi32>
      %and3A_238 = arith.andi %and3A_227, %eq3A_237 : vector<16xi1>
      tpu.vector_store_idx %arg8[%shift_right_arithmetic3A_230, %and3A_233], %broadcast_in_dim3A_234 masked %and3A_238 : memref<79x16xf32, #tpu.memory_space<vmem>>[vector<16xi32>, vector<16xi32>], vector<16xf32>, vector<16xi1>
      %scan3A_239 = arith.constant 0 : i32
      %scan3A_240 = arith.constant 79 : i32
      %scan3A_241 = arith.addi %scan3A_239, %scan3A_240 : i32
      %scan3A_242 = arith.constant 1 : i32
      %scan3A_243:2 = scf.for %scan3A_303 = %scan3A_239 to %scan3A_241 step %scan3A_242 iter_args(%scan3A_304 = %broadcast_in_dim3A_79, %scan3A_305 = %broadcast_in_dim3A_80) -> (vector<16xf32>, vector<16xi32>)  : i32 {
        %get3A = arith.index_cast %scan3A_303 : i32 to index
        %get3A_306 = arith.constant 0 : index
        %get3A_307 = tpu.vector_load %arg9[%get3A, %get3A_306] {strides = array<i32>} : memref<79x16xf32, #tpu.memory_space<vmem>>, vector<16xf32>,
        %max3A_308 = arith.maximumf %gather3A_185, %get3A_307 : vector<16xf32>
        %get3A_309 = arith.index_cast %scan3A_303 : i32 to index
        %get3A_310 = arith.constant 0 : index
        %get3A_311 = tpu.vector_load %arg10[%get3A_309, %get3A_310] {strides = array<i32>} : memref<79x16xf32, #tpu.memory_space<vmem>>, vector<16xf32>,
        %max3A_312 = arith.maximumf %gather3A_188, %get3A_311 : vector<16xf32>
        %get3A_313 = arith.index_cast %scan3A_303 : i32 to index
        %get3A_314 = arith.constant 0 : index
        %get3A_315 = tpu.vector_load %arg11[%get3A_313, %get3A_314] {strides = array<i32>} : memref<79x16xf32, #tpu.memory_space<vmem>>, vector<16xf32>,
        %min3A_316 = arith.minimumf %gather3A_191, %get3A_315 : vector<16xf32>
        %get3A_317 = arith.index_cast %scan3A_303 : i32 to index
        %get3A_318 = arith.constant 0 : index
        %get3A_319 = tpu.vector_load %arg12[%get3A_317, %get3A_318] {strides = array<i32>} : memref<79x16xf32, #tpu.memory_space<vmem>>, vector<16xf32>,
        %min3A_320 = arith.minimumf %gather3A_194, %get3A_319 : vector<16xf32>
        %sub3A_321 = arith.subf %min3A_316, %max3A_308 : vector<16xf32>
        %max3A_322 = arith.constant 0.000000e+00 : f32
        %max3A_323 = vector.broadcast %max3A_322 : f32 to vector<16xf32>
        %max3A_324 = arith.maximumf %sub3A_321, %max3A_323 : vector<16xf32>
        %sub3A_325 = arith.subf %min3A_320, %max3A_312 : vector<16xf32>
        %max3A_326 = arith.constant 0.000000e+00 : f32
        %max3A_327 = vector.broadcast %max3A_326 : f32 to vector<16xf32>
        %max3A_328 = arith.maximumf %sub3A_325, %max3A_327 : vector<16xf32>
        %mul3A_329 = arith.mulf %max3A_324, %max3A_328 : vector<16xf32>
        %get3A_330 = arith.index_cast %scan3A_303 : i32 to index
        %get3A_331 = arith.constant 0 : index
        %get3A_332 = tpu.vector_load %arg13[%get3A_330, %get3A_331] {strides = array<i32>} : memref<79x16xf32, #tpu.memory_space<vmem>>, vector<16xf32>,
        %add3A_333 = arith.addf %mul3A_197, %get3A_332 : vector<16xf32>
        %sub3A_334 = arith.subf %add3A_333, %mul3A_329 : vector<16xf32>
        %add3A_335 = arith.constant 9.99999997E-7 : f32
        %add3A_336 = vector.broadcast %add3A_335 : f32 to vector<16xf32>
        %add3A_337 = arith.addf %sub3A_334, %add3A_336 : vector<16xf32>
        %div3A = arith.divf %mul3A_329, %add3A_337 : vector<16xf32>
        %mul3A_338 = arith.constant 16 : i32
        %mul3A_339 = arith.muli %scan3A_303, %mul3A_338 : i32
        %add3A_340 = arith.addi %mul3A_0, %mul3A_339 : i32
        %add3A_341 = vector.broadcast %add3A_340 : i32 to vector<16xi32>
        %add3A_342 = arith.addi %iota3A, %add3A_341 : vector<16xi32>
        %gt3A = arith.constant 5.000000e-01 : f32
        %gt3A_343 = vector.broadcast %gt3A : f32 to vector<16xf32>
        %gt3A_344 = arith.cmpf ogt, %div3A, %gt3A_343 : vector<16xf32>
        %get3A_345 = arith.index_cast %scan3A_303 : i32 to index
        %get3A_346 = arith.constant 0 : index
        %get3A_347 = tpu.vector_load %arg8[%get3A_345, %get3A_346] {strides = array<i32>} : memref<79x16xf32, #tpu.memory_space<vmem>>, vector<16xf32>,
        %broadcast_in_dim3A_348 = vector.broadcast %scan3A_136 : f32 to vector<16xf32>
        %select_n3A_349 = arith.select %gt3A_344, %broadcast_in_dim3A_348, %get3A_347 : vector<16xi1>, vector<16xf32>
        %swap3A_350 = arith.index_cast %scan3A_303 : i32 to index
        %swap3A_351 = arith.constant 0 : index
        %swap3A_352 = tpu.vector_load %arg8[%swap3A_350, %swap3A_351] {strides = array<i32>} : memref<79x16xf32, #tpu.memory_space<vmem>>, vector<16xf32>,
        tpu.vector_store %arg8[%swap3A_350, %swap3A_351], %select_n3A_349 {strides = array<i32>} : memref<79x16xf32, #tpu.memory_space<vmem>>, vector<16xf32>,
        %gt3A_353 = arith.cmpf ogt, %select_n3A_349, %scan3A_304 : vector<16xf32>
        %select_n3A_354 = arith.select %gt3A_353, %select_n3A_349, %scan3A_304 : vector<16xi1>, vector<16xf32>
        %select_n3A_355 = arith.select %gt3A_353, %add3A_342, %scan3A_305 : vector<16xi1>, vector<16xi32>
        scf.yield %select_n3A_354, %select_n3A_355 : vector<16xf32>, vector<16xi32>
      }
      %scan3A_244 = arith.constant 79 : i32
      %sub3A_245 = arith.constant 16 : i32
      %sub3A_246 = arith.subi %sub3A_245, %mul3A_156 : i32
      %reduce_max3A_247 = arith.constant true
      %reduce_max3A_248 = vector.broadcast %reduce_max3A_247 : i1 to vector<16xi1>
      %reduce_max3A_249 = tpu.scan <max>, %scan3A_243#0 masked %reduce_max3A_248 : vector<16xf32>, vector<16xi1> -> vector<16xf32>
      %reduce_max3A_250 = vector.extract %reduce_max3A_249[15] : f32 from vector<16xf32>
      %broadcast_in_dim3A_251 = vector.broadcast %reduce_max3A_250 : f32 to vector<16xf32>
      %eq3A_252 = arith.cmpf oeq, %scan3A_243#0, %broadcast_in_dim3A_251 : vector<16xf32>
      %jit3A_253 = arith.constant 1073741824 : i32
      %broadcast_in_dim3A_254 = vector.broadcast %jit3A_253 : i32 to vector<16xi32>
      %select_n3A_255 = arith.select %eq3A_252, %scan3A_243#1, %broadcast_in_dim3A_254 : vector<16xi1>, vector<16xi32>
      %reduce_min3A_256 = arith.constant true
      %reduce_min3A_257 = vector.broadcast %reduce_min3A_256 : i1 to vector<16xi1>
      %reduce_min3A_258 = arith.constant -2147483648 : i32
      %reduce_min3A_259 = vector.broadcast %reduce_min3A_258 : i32 to vector<16xi32>
      %reduce_min3A_260 = arith.xori %select_n3A_255, %reduce_min3A_259 : vector<16xi32>
      %reduce_min3A_261 = tpu.scan <min>, %reduce_min3A_260 masked %reduce_min3A_257 : vector<16xi32>, vector<16xi1> -> vector<16xi32>
      %reduce_min3A_262 = arith.xori %reduce_min3A_261, %reduce_min3A_259 : vector<16xi32>
      %reduce_min3A_263 = vector.extract %reduce_min3A_262[15] : i32 from vector<16xi32>
      %broadcast_in_dim3A_264 = vector.broadcast %reduce_min3A_263 : i32 to vector<16xi32>
      %sub3A_265 = vector.broadcast %mul3A_0 : i32 to vector<16xi32>
      %sub3A_266 = arith.subi %broadcast_in_dim3A_264, %sub3A_265 : vector<16xi32>
      %shift_right_arithmetic3A_267 = arith.constant 4 : i32
      %shift_right_arithmetic3A_268 = vector.broadcast %shift_right_arithmetic3A_267 : i32 to vector<16xi32>
      %shift_right_arithmetic3A_269 = arith.shrsi %sub3A_266, %shift_right_arithmetic3A_268 : vector<16xi32>
      %and3A_270 = arith.constant 15 : i32
      %and3A_271 = vector.broadcast %and3A_270 : i32 to vector<16xi32>
      %and3A_272 = arith.andi %sub3A_266, %and3A_271 : vector<16xi32>
      %gather3A_273 = tpu.vector_load_idx %arg9[%shift_right_arithmetic3A_269, %and3A_272] : memref<79x16xf32, #tpu.memory_space<vmem>>[vector<16xi32>, vector<16xi32>], vector<16xf32>,
      %gather3A_274 = tpu.vector_load_idx %arg10[%shift_right_arithmetic3A_269, %and3A_272] : memref<79x16xf32, #tpu.memory_space<vmem>>[vector<16xi32>, vector<16xi32>], vector<16xf32>,
      %gather3A_275 = tpu.vector_load_idx %arg11[%shift_right_arithmetic3A_269, %and3A_272] : memref<79x16xf32, #tpu.memory_space<vmem>>[vector<16xi32>, vector<16xi32>], vector<16xf32>,
      %gather3A_276 = tpu.vector_load_idx %arg12[%shift_right_arithmetic3A_269, %and3A_272] : memref<79x16xf32, #tpu.memory_space<vmem>>[vector<16xi32>, vector<16xi32>], vector<16xf32>,
      %eq3A_277 = arith.constant 0 : i32
      %eq3A_278 = vector.broadcast %eq3A_277 : i32 to vector<16xi32>
      %eq3A_279 = arith.cmpi eq, %iota3A, %eq3A_278 : vector<16xi32>
      %eq3A_280 = arith.constant 1 : i32
      %eq3A_281 = vector.broadcast %eq3A_280 : i32 to vector<16xi32>
      %eq3A_282 = arith.cmpi eq, %iota3A, %eq3A_281 : vector<16xi32>
      %eq3A_283 = arith.constant 2 : i32
      %eq3A_284 = vector.broadcast %eq3A_283 : i32 to vector<16xi32>
      %eq3A_285 = arith.cmpi eq, %iota3A, %eq3A_284 : vector<16xi32>
      %select_n3A_286 = arith.select %eq3A_285, %gather3A_275, %gather3A_276 : vector<16xi1>, vector<16xf32>
      %select_n3A_287 = arith.select %eq3A_282, %gather3A_274, %select_n3A_286 : vector<16xi1>, vector<16xf32>
      %select_n3A_288 = arith.select %eq3A_279, %gather3A_273, %select_n3A_287 : vector<16xi1>, vector<16xf32>
      %swap3A_289 = arith.constant 0 : i32
      %swap3A_290 = arith.index_cast %swap3A_289 : i32 to index
      %swap3A_291 = arith.constant 0 : index
      %swap3A_292 = tpu.vector_load %arg14[%swap3A_290, %swap3A_291] {strides = array<i32>} : memref<1x128xf32, #tpu.memory_space<vmem>>, vector<16xf32>,
      tpu.vector_store %arg14[%swap3A_290, %swap3A_291], %broadcast_in_dim3A_251 {strides = array<i32>} : memref<1x128xf32, #tpu.memory_space<vmem>>, vector<16xf32>,
      %bitcast3A_293 = vector.bitcast %broadcast_in_dim3A_264 : vector<16xi32> to vector<16xf32>
      %swap3A_294 = arith.constant 0 : i32
      %swap3A_295 = arith.index_cast %swap3A_294 : i32 to index
      %swap3A_296 = arith.constant 16 : index
      %swap3A_297 = tpu.vector_load %arg14[%swap3A_295, %swap3A_296] {strides = array<i32>} : memref<1x128xf32, #tpu.memory_space<vmem>>, vector<16xf32>,
      tpu.vector_store %arg14[%swap3A_295, %swap3A_296], %bitcast3A_293 {strides = array<i32>} : memref<1x128xf32, #tpu.memory_space<vmem>>, vector<16xf32>,
      %swap3A_298 = arith.constant 0 : i32
      %swap3A_299 = arith.index_cast %swap3A_298 : i32 to index
      %swap3A_300 = arith.constant 32 : index
      %swap3A_301 = tpu.vector_load %arg14[%swap3A_299, %swap3A_300] {strides = array<i32>} : memref<1x128xf32, #tpu.memory_space<vmem>>, vector<16xf32>,
      tpu.vector_store %arg14[%swap3A_299, %swap3A_300], %select_n3A_288 {strides = array<i32>} : memref<1x128xf32, #tpu.memory_space<vmem>>, vector<16xf32>,
      %add3A_302 = arith.addi %sub3A_246, %arg1 : i32
      "tpu.region"() ({
        %run_scoped3A = tpu.sem_alloc : memref<!tpu.dma_semaphore, #tpu.memory_space<semaphore_mem>>
        %dma_start3A_303 = arith.constant 0 : i32
        %dma_start3A_304 = tpu.memref_slice %arg15[%add3A_302, %dma_start3A_303] : memref<32x128xf32, #tpu.memory_space<vmem_shared>> -> memref<1x128xf32, #tpu.memory_space<vmem_shared>>
        %dma_start3A_305 = arith.constant 0 : i32
        %dma_start3A_306 = tpu.memref_slice %arg15[%add3A_302, %dma_start3A_305] : memref<32x128xf32, #tpu.memory_space<vmem_shared>> -> memref<1x128xf32, #tpu.memory_space<vmem_shared>>
        tpu.enqueue_dma source(%arg14 : memref<1x128xf32, #tpu.memory_space<vmem>>) target(%dma_start3A_306 : memref<1x128xf32, #tpu.memory_space<vmem_shared>>) target_semaphore(%run_scoped3A : memref<!tpu.dma_semaphore, #tpu.memory_space<semaphore_mem>>)
        %dma_wait3A_307 = arith.constant 0 : i32
        %dma_wait3A_308 = tpu.memref_slice %arg15[%add3A_302, %dma_wait3A_307] : memref<32x128xf32, #tpu.memory_space<vmem_shared>> -> memref<1x128xf32, #tpu.memory_space<vmem_shared>>
        %dma_wait3A_309 = arith.constant 0 : i32
        %dma_wait3A_310 = tpu.memref_slice %arg15[%add3A_302, %dma_wait3A_309] : memref<32x128xf32, #tpu.memory_space<vmem_shared>> -> memref<1x128xf32, #tpu.memory_space<vmem_shared>>
        tpu.wait_dma2 semaphore(%run_scoped3A : memref<!tpu.dma_semaphore, #tpu.memory_space<semaphore_mem>>) src(%arg14 : memref<1x128xf32, #tpu.memory_space<vmem>>) dst(%dma_wait3A_310 : memref<1x128xf32, #tpu.memory_space<vmem_shared>>)
        tpu.yield
      }) : () -> ()
    }
    %scan3A_141 = arith.constant 100 : i32
    %eq3A_142 = arith.constant 0 : i32
    %eq3A_143 = arith.cmpi eq, %arg0, %eq3A_142 : i32
    %eq3A_144 = arith.constant 0 : i32
    %eq3A_145 = arith.cmpi eq, %arg1, %eq3A_144 : i32
    %and3A_146 = arith.andi %eq3A_143, %eq3A_145 : i1
    %convert_element_type3A = arith.extui %and3A_146 : i1 to i32
    %cond3A = arith.constant 0 : i32
    %cond3A_147 = arith.cmpi ne, %convert_element_type3A, %cond3A : i32
    scf.if %cond3A_147 {
      "tpu.region"() ({
        %run_scoped3A = tpu.sem_alloc : memref<!tpu.dma_semaphore, #tpu.memory_space<semaphore_mem>>
        tpu.enqueue_dma source(%arg17 : memref<100x16xf32, #tpu.memory_space<vmem>>) target(%arg7 : memref<100x16xf32, #tpu.memory_space<hbm>>) target_semaphore(%run_scoped3A : memref<!tpu.dma_semaphore, #tpu.memory_space<semaphore_mem>>)
        tpu.wait_dma2 semaphore(%run_scoped3A : memref<!tpu.dma_semaphore, #tpu.memory_space<semaphore_mem>>) src(%arg17 : memref<100x16xf32, #tpu.memory_space<vmem>>) dst(%arg7 : memref<100x16xf32, #tpu.memory_space<hbm>>)
        tpu.yield
      }) : () -> ()
    } else {
    }
    return
  }
}

</mosaic_0001>

<sc_bundles>
// kernel: kernel.3.cloned.1.call-start
scs
__scs_entry_jumppad:
0x0: {  	(pc) =	sbr.rel $0x88, $3  }
0x1: {  	(tag) =	ssettag $0x0;
	lr =	simm.s32 $0x1  }
0x2: {  	[smem:$0x3F9F] =	sst lr;
	_ =	strace $0xD0000000  }
0x3: {  	_ = 	snop  }
0x4: {  	_ = 	snop  }
0x5: {  	_ = 	snop  }
0x6: {  	_ = 	snop  }
0x7: {  	_ = 	snop  }
__scs_overlays_trampoline_lowered:
0x8: {  	[smem:$0x3FAE] =	sst s0  }
0x9: {  	[smem:$0x3FAF] =	sst s1  }
0xa: {  	[smem:$0x3FB0] =	sst s2  }
0xb: {  	[smem:$0x3FB1] =	sst s3  }
0xc: {  	[smem:$0x3FB2] =	sst s4  }
0xd: {  	[smem:$0x3FB3] =	sst s5  }
0xe: {  	[smem:$0x3FB4] =	sst s6  }
0xf: {  	[smem:$0x3FB5] =	sst s7  }
0x10: {  	[smem:$0x3FB6] =	sst s8  }
0x11: {  	[smem:$0x3FB7] =	sst s9;
	s0 =	simm.s32 @!p0 $0x0  }
0x12: {  	s1 =	sld [smem:$0x3F9D];
	s0 =	simm.s32 @p0 $0x1  }
0x13: {  	[smem:$0x3FB8] =	sst s0;
	s0 =	simm.s32 @!p1 $0x0  }
0x14: {  	s2 =	sld [smem:$0x3F9C];
	s0 =	simm.s32 @p1 $0x1  }
0x15: {  	[smem:$0x3FB9] =	sst s0;
	s0 =	simm.s32 @!p2 $0x0  }
0x16: {  	s3 =	sld [smem:$0x3FDB];
	s0 =	simm.s32 @p2 $0x1  }
0x17: {  	s4 =	simm.s32 $0x1BF5;
	[smem:$0x3FBB] =	sst s0  }
0x18: {  	s0 =	sld [smem:$0x3F9E];
	_ =	swait.ge [sflag:s4], $0x0  }
0x19: {  	s7 =	sld [smem:$0x3F9F]  }
0x1a: {  	s8 =	sadd.s32 $0xFFFFE003, lr  }
0x1b: {  	s9 =	sadd.s32 $0xFFFFFEF7, lr;
	s5 =	simm.s32 $0xFFFFFFFF;
	p2 =	slt.u32 s8, $0xFFFFF086  }
0x1c: {  	p1 =	slt.u32 s9, $0xF7A;
	s5 =	simm.s32 @!p2 $0x0  }
0x1d: {  	s5 =	simm.s32 @p1 $0x1;
	p0 =	seq.s32 s7, s2  }
0x1e: {  	s7 =	smul.u32 @!p0 $0xF7A, s2;
	p2 =	seq.s32 @!p0 s5, $0x0  }
0x1f: {  	s9 =	smul.u32 $0xF7A, s1;
	s8 =	simm.s32 @!p0 $0x1BF5;
	p2 =	por !p2, p0  }
0x20: {  	[sflag:s8] =	ssyncset.s32 @!p0 $0xFFFFF086;
	s6 =	sadd.s32 @!p0 s3, s7;
	s7 =	simm.s32 @!p0 $0x108  }
0x21: {  	s3 =	sadd.s32 s3, s9;
	s6 =	sadd.s32 @!p0 $0x88, s6;
	s7 =	simm.s32 @p2 $0x1082  }
0x22: {  	[simem:s7], [sflag:s8] =	dma.local @!p0 [hbm:s6], $0xF7A  }
0x23: {  	s9 =	sor.u32 $0xD0000000, s2;
	s6 =	simm.s32 $0x108;
	_ =	swait.ge @!p0 [sflag:s8], $0x0  }
0x24: {  	s3 =	sadd.s32 $0x88, s3;
	s6 =	simm.s32 @!p1 $0x1082;
	[sflag:s4] =	ssyncset.s32 $0xFFFFF086  }
0x25: {  	[simem:s6], [sflag:s4] =	dma.local [hbm:s3], $0xF7A  }
0x26: {  	[smem:$0x3F9F] =	sst s1;
	(tag) =	ssettag s2;
	_ =	strace s9  }
0x27: {  	s1 =	sld [smem:$0x3FAF]  }
0x28: {  	s2 =	sld [smem:$0x3FB0]  }
0x29: {  	s4 =	sld [smem:$0x3FB2]  }
0x2a: {  	p0 =	seq.s32 s5, $0x0;
	s5 =	sld [smem:$0x3FB3]  }
0x2b: {  	s6 =	sld [smem:$0x3FB4]  }
0x2c: {  	s7 =	sld [smem:$0x3FB5]  }
0x2d: {  	s3 =	simm.s32 $0x108;
	s8 =	sld [smem:$0x3FB6]  }
0x2e: {  	s3 =	simm.s32 @!p0 $0x1082;
	s9 =	sld [smem:$0x3FB7]  }
0x2f: {  	lr =	sadd.s32 s0, s3;
	s0 =	sld [smem:$0x3FAE]  }
0x30: {  	s3 =	sld [smem:$0x3FB1]  }
0x31: {  	[smem:$0x3FBA] =	sst s10  }
0x32: {  	s10 =	sld [smem:$0x3FB8];
	_ =	sdelay $0x3  }
0x33: {  	p0 =	seq.s32 s10, $0x1;
	s10 =	sld [smem:$0x3FBA];
	_ =	sdelay $0x3  }
0x34: {  	[smem:$0x3FBA] =	sst s10  }
0x35: {  	s10 =	sld [smem:$0x3FB9];
	_ =	sdelay $0x3  }
0x36: {  	p1 =	seq.s32 s10, $0x1;
	s10 =	sld [smem:$0x3FBA];
	_ =	sdelay $0x3  }
0x37: {  	[smem:$0x3FBA] =	sst s10  }
0x38: {  	s10 =	sld [smem:$0x3FBB]  }
0x39: {  	_ = 	snop;
	(pc) =	sbr.ind lr, $3  }
0x3a: {  	_ = 	snop  }
0x3b: {  	_ = 	snop  }
0x3c: {  	p2 =	seq.s32 s10, $0x1;
	s10 =	sld [smem:$0x3FBA]  }
0x3d: {  	_ =	shalt  }
0x3e: {  	_ =	shalt  }
0x3f: {  	_ =	shalt  }
0x40: {  	_ =	shalt  }
0x41: {  	_ =	shalt  }
0x42: {  	_ =	shalt  }
0x43: {  	_ =	shalt  }
0x44: {  	_ =	shalt  }
0x45: {  	_ =	shalt  }
0x46: {  	_ =	shalt  }
0x47: {  	_ =	shalt  }
0x48: {  	_ =	shalt  }
0x49: {  	_ =	shalt  }
0x4a: {  	_ =	shalt  }
0x4b: {  	_ =	shalt  }
0x4c: {  	_ =	shalt  }
0x4d: {  	_ =	shalt  }
0x4e: {  	_ =	shalt  }
0x4f: {  	_ =	shalt  }
0x50: {  	_ =	shalt  }
0x51: {  	_ =	shalt  }
0x52: {  	_ =	shalt  }
0x53: {  	_ =	shalt  }
0x54: {  	_ =	shalt  }
0x55: {  	_ =	shalt  }
0x56: {  	_ =	shalt  }
0x57: {  	_ =	shalt  }
0x58: {  	_ =	shalt  }
0x59: {  	_ =	shalt  }
0x5a: {  	_ =	shalt  }
0x5b: {  	_ =	shalt  }
0x5c: {  	_ =	shalt  }
0x5d: {  	_ =	shalt  }
0x5e: {  	_ =	shalt  }
0x5f: {  	_ =	shalt  }
0x60: {  	_ =	shalt  }
0x61: {  	_ =	shalt  }
0x62: {  	_ =	shalt  }
0x63: {  	_ =	shalt  }
0x64: {  	_ =	shalt  }
0x65: {  	_ =	shalt  }
0x66: {  	_ =	shalt  }
0x67: {  	_ =	shalt  }
0x68: {  	_ =	shalt  }
0x69: {  	_ =	shalt  }
0x6a: {  	_ =	shalt  }
0x6b: {  	_ =	shalt  }
0x6c: {  	_ =	shalt  }
0x6d: {  	_ =	shalt  }
0x6e: {  	_ =	shalt  }
0x6f: {  	_ =	shalt  }
0x70: {  	_ =	shalt  }
0x71: {  	_ =	shalt  }
0x72: {  	_ =	shalt  }
0x73: {  	_ =	shalt  }
0x74: {  	_ =	shalt  }
0x75: {  	_ =	shalt  }
0x76: {  	_ =	shalt  }
0x77: {  	_ =	shalt  }
0x78: {  	_ =	shalt  }
0x79: {  	_ =	shalt  }
0x7a: {  	_ =	shalt  }
0x7b: {  	_ =	shalt  }
0x7c: {  	_ =	shalt  }
0x7d: {  	_ =	shalt  }
0x7e: {  	_ =	shalt  }
0x7f: {  	_ =	shalt  }
0x80: {  	_ =	shalt  }
0x81: {  	_ =	shalt  }
0x82: {  	_ =	shalt  }
0x83: {  	_ =	shalt  }
0x84: {  	_ =	shalt  }
0x85: {  	_ =	shalt  }
0x86: {  	_ =	shalt  }
0x87: {  	_ =	shalt  }
.Lfunc_end0:
.L_simem_size_0:
called_computation_lowered:
.L_overlay_start_0:
0x88: {  	s2 =	sld [smem:$0x3FD9]  }
0x89: {  	s3 =	sld [smem:$0x3FFE];
	_ =	sdelay $0x1  }
0x8a: {  	s1 =	srdreg.scid  }
0x8b: {  	s0 =	sand.u32 $0x1, s1  }
0x8c: {  	s16 =	sshll.u32 s0, $0xA;
	s2 =	sadd.s32 s3, s2  }
0x8d: {  	s2 =	sadd.s32 s2, s16  }
0x8e: {  	[smem:$0x3FC6] =	sst s2  }
0x8f: {  	_ = 	snop  }
0x90: {  	(tm) =	ssettm $0x1  }
0x91: {  	s17 =	sld [smem:$0x3FFB];
	_ =	sdelay $0x3  }
0x92: {  	_ =	strace s17  }
0x93: {  	s2 =	sld [smem:$0x3FFC];
	_ =	sdelay $0x3  }
0x94: {  	_ =	strace s2  }
0x95: {  	s2 =	sld [smem:$0x3FFD];
	_ =	sdelay $0x3  }
0x96: {  	_ =	strace s2  }
0x97: {  	_ =	strace $0x8FFFFFFF  }
0x98: {  	s18 =	sld [smem:$0x3FDB];
	_ =	sdelay $0x1  }
0x99: {  	s19 =	simm.s32 $_scs_section_size  }
0x9a: {  	s4 =	simm.s32 $_size__tile_overlayer_lowered;
	s5 =	simm.s32 $_tile_overlayer_lowered  }
0x9b: {  	s22 =	simm.s32 $0x1BFF;
	s21 =	sshll.u32 s5, $0x1;
	s2 =	sadd.s32 s19, s18  }
0x9c: {  	s6 =	simm.s32 $0x0;
	s20 =	sshll.u32 s4, $0x1;
	s4 =	sadd.s32 s21, s2  }
0x9d: {  	[timem:s6], [sflag:s22] =	dma.local [hbm:s4], s20  }
0x9e: {  	_ =	swait.ge [sflag:s22], s20  }
0x9f: {  	s3 =	ssub.s32 $0x0, s20;
	[sflag:s22] =	ssyncset.done $0x0  }
0xa0: {  	[sflag:s22] =	ssyncadd.s32 s3;
	_ =	sdelay $0x1  }
0xa1: {  	s23 =	simm.s32 $0x1B8B  }
0xa2: {  	_ =	swait.ge [sflag:s23], $0x1  }
0xa3: {  	[sflag:s23] =	ssyncset.done $0x0  }
0xa4: {  	s25 =	simm.s32 $0x1B8E;
	s24 =	sld [smem:$0x3FFE];
	[sflag:s23] =	ssyncadd.s32 $0xFFFFFFFF  }
0xa5: {  	s26 =	simm.s32 $execute0_lowered;
	[smem:$0x3FD2] =	sst s25  }
0xa6: {  	s4 =	sshll.u32 s26, $0x1;
	_ =	strace $0x80000046;
	[dreg:$0x1] =	wrdreg $0xFFFFFFFF  }
0xa7: {  	s28 =	simm.s32 $_size_execute0_lowered;
	s2 =	sadd.s32 s2, s4;
	[dreg:$0x0] =	wrdreg $0x0  }
0xa8: {  	s4 =	sshll.u32 s28, $0x1;
	[dreg:$0x2] =	wrdreg s2  }
0xa9: {  	[dreg:$0x3] =	wrdreg s4  }
0xaa: {  	[dreg:$0x4] =	wrdreg $0xC0  }
0xab: {  	_ =	task [dreg:s6], $0x5FFFF  }
0xac: {  	[dreg:$0x1] =	wrdreg $0xFFFFFFFF  }
0xad: {  	[dreg:$0x0] =	wrdreg $0x60  }
0xae: {  	[dreg:$0x2] =	wrdreg s24  }
0xaf: {  	[dreg:$0x3] =	wrdreg $0xF0800  }
0xb0: {  	[dreg:$0x4] =	wrdreg $0x9  }
0xb1: {  	_ =	task.clear_ibuf [dreg:s6], $0x5FFFF;
	_ =	strace $0x90000046  }
0xb2: {  	s29 =	simm.s32 $0x9;
	_ =	strace $0x80000048  }
0xb3: {  	_ =	swait.ge [sflag:s29], $0x1  }
0xb4: {  	[sflag:s29] =	ssyncadd.s32 $0xFFFFFFFF  }
0xb5: {  	_ =	strace $0x90000048  }
0xb6: {  	_ =	sfence  }
0xb7: {  	s30 =	sld [smem:$0x0];
	_ =	sdelay $0x2  }
0xb8: {  	s31 =	sshll.u32 s1, $0xD;
	s1 =	sshrl.u32 s1, $0x2  }
0xb9: {  	s3 =	sand.u32 $0x4000, s31;
	s1 =	sadd.s32 s1, s30  }
0xba: {  	s0 =	sor.u32 s3, s0;
	s1 =	sshll.u32 s1, $0x11  }
0xbb: {  	s0 =	sor.u32 s1, s0  }
0xbc: {  	s0 =	sadd.s32 $0x8F2B, s0  }
0xbd: {  	[sflag:s0] =	ssyncadd.remote.s32 $0x1  }
0xbe: {  	_ =	sfence.sel $0xFFFF  }
0xbf: {  	[dreg:$0x0] =	wrdreg $0xFFFFFFFF;
	(pc) =	sbr.abs _section_cstart, $3  }
0xc0: {  	[dreg:$0x1] =	wrdreg $0xFFFFFFFF  }
0xc1: {  	_ =	task.clear_ibuf [dreg:s6], $0x2FFFF;
	_ =	strace $0x9FFFFFFF  }
0xc2: {  	(tm) =	ssettm $0x7FFFFFFF  }
0xc3: {  	_ =	shalt  }
tec
execute0_lowered:
.L_overlay_start_1:
0x0: {  	(tag) =	ssettag $0x1  }
0x1: {  	s0 =	rddreg [dreg:$0x0]  }
0x2: {  	s2 =	rddreg [dreg:$0x1]  }
0x3: {  	s3 =	simm.s32 $0x0;
	s4 =	srdreg.scid;
	s1 =	stileid.u32  }
0x4: {  	s14 =	simm.s32 $0x2800;
	s15 =	simm.s32 $0x5000;
	s16 =	simm.s32 $0x7800  }
0x5: {  	s17 =	simm.s32 $0xA000;
	s18 =	simm.s32 $0x1;
	s19 =	simm.s32 $0xF000  }
0x6: {  	s20 =	simm.s32 $0x2;
	s21 =	simm.s32 $0xF180;
	s22 =	simm.s32 $0x0  }
0x7: {  	[smem:$0x7FF] =	sst s3;
	s4 =	sand.u32 $0x1, s4;
	s5 =	smul.u32 $0x500, s1  }
0x8: {  	s7 =	sadd.s32 $0x19000, s0;
	s11 =	sshll.u32 s1, $0x7;
	_ =	strace $0x80000047  }
0x9: {  	s6 =	ssub.s32 $0x2, s4;
	[dreg:$0x3] =	wrdreg s7;
	s11 =	sadd.s32 s11, s2  }
0xa: {  	v0 =	vlaneseq.u32;
	s4 =	sor.u32 s1, s4;
	s31 =	sshrl.u32 s6, $0x1;
	s5 =	sadd.s32 s0, s5  }
0xb: {  	vm0 =	vcmask $0x3F0C;
	v2 =	vmul.u32 $0x80, v0;
	s0 =	smul.u32 $0x4F0, s1;
	p0 =	sne.s32 s4, $0x0;
	s6 =	ssub.s32 s6, s31  }
0xc: {  	vm1 =	vcmask $0x3F08;
	vm2 =	vmmov $0x1;
	vm3 =	vcmask $0x3F10;
	s7 =	sadd.s32 $0x14000, s5;
	s8 =	sadd.s32 $0x5000, s5;
	s9 =	sadd.s32 $0xA000, s5  }
0xd: {  	vm4 =	vmxor vm4, vm4;
	v3 =	vor.u32 $0x10, v2;
	s10 =	sadd.s32 $0xF000, s5;
	s12 =	sadd.s32 $0x4F0, s0;
	s13 =	smax.u32 s6, $0x1;
	v1 =	vmov s0  }
.LBB2_1:
0xe: {  	[tilespmem:s3], [sflag:$0x1] =	stream.linear.gather [hbm4b:s7+s3], $0x2780, $0x38;
	[tilespmem:$0x12D80] =	vst v63  }
0xf: {  	_ = 	snop  }
0x10: {  	[tilespmem:s14], [sflag:$0x1] =	stream.linear.gather [hbm4b:s5+s3], $0x2780, $0x38;
	[tilespmem:$0x12D80] =	vst v63  }
0x11: {  	_ = 	snop  }
0x12: {  	[tilespmem:s15], [sflag:$0x1] =	stream.linear.gather [hbm4b:s8+s3], $0x2780, $0x38;
	[tilespmem:$0x12D80] =	vst v63  }
0x13: {  	_ = 	snop  }
0x14: {  	[tilespmem:s16], [sflag:$0x1] =	stream.linear.gather [hbm4b:s9+s3], $0x2780, $0x38;
	[tilespmem:$0x12D80] =	vst v63  }
0x15: {  	_ = 	snop  }
0x16: {  	[tilespmem:s17], [sflag:$0x1] =	stream.linear.gather [hbm4b:s10+s3], $0x2780, $0x38;
	[tilespmem:$0x12D80] =	vst v63  }
0x17: {  	_ =	swait.ge [sflag:s18], $0x2780  }
0x18: {  	[sflag:s18] =	ssyncset.done $0x0  }
0x19: {  	[sflag:s18] =	ssyncadd.s32 $0xFFFFD880  }
0x1a: {  	_ =	swait.ge [sflag:s18], $0x2780  }
0x1b: {  	[sflag:s18] =	ssyncset.done $0x0  }
0x1c: {  	[sflag:s18] =	ssyncadd.s32 $0xFFFFD880  }
0x1d: {  	_ =	swait.ge [sflag:s18], $0x2780  }
0x1e: {  	[sflag:s18] =	ssyncset.done $0x0  }
0x1f: {  	[sflag:s18] =	ssyncadd.s32 $0xFFFFD880  }
0x20: {  	_ =	swait.ge [sflag:s18], $0x2780  }
0x21: {  	[sflag:s18] =	ssyncset.done $0x0  }
0x22: {  	[sflag:s18] =	ssyncadd.s32 $0xFFFFD880  }
0x23: {  	_ =	swait.ge [sflag:s18], $0x2780  }
0x24: {  	[sflag:s18] =	ssyncset.done $0x0  }
0x25: {  	s4 =	simm.s32 $0x0;
	[sflag:s18] =	ssyncadd.s32 $0xFFFFD880  }
0x26: {  	v4 =	vld [tilespmem:s4+$0x0]  }
0x27: {  	v5 =	vld [tilespmem:s4+$0x7800]  }
0x28: {  	v6 =	vld [tilespmem:s4+$0x2800]  }
0x29: {  	v7 =	vld [tilespmem:s4+$0xA000]  }
0x2a: {  	v8 =	vld [tilespmem:s4+$0x5000]  }
0x2b: {  	vm5 =	vgt.f32 v4, $5.000000070e-02  }
0x2c: {  	v9 =	vnsel vm5, $0xFF800000, v4  }
0x2d: {  	s6 =	simm.s32 $0x80;
	[tilespmem:s4+$0x0] =	vst v9  }
0x2e: {  	v11 =	vld [tilespmem:s6+$0x0]  }
0x2f: {  	v8 =	vsub.f32 v7, v8;
	v4 =	vsub.f32 v5, v6;
	v6 =	vld [tilespmem:s6+$0x7800]  }
0x30: {  	v7 =	vld [tilespmem:s6+$0x2800]  }
0x31: {  	v10 =	vimm.f32 $-Inf;
	v5 =	vld [tilespmem:s6+$0xA000];
	v12 =	vmul.f32 v8, v4  }
0x32: {  	vm5 =	vgt.f32 v9, v10;
	v4 =	vor.u32 s0, v0;
	v8 =	vld [tilespmem:s6+$0x5000]  }
0x33: {  	s23 =	simm.s32 $0x400;
	s24 =	simm.s32 $0x600;
	v10 =	vsel vm5, v9, v10;
	v9 =	vsel vm5, v4, v1;
	[tilespmem:s4+$0xC800] =	vst v12;
	s4 =	smov.u32 s0;
	vm5 =	vgt.f32 v11, $5.000000070e-02  }
.LBB2_2:
0x34: {  	p1 =	sne.s32 s24, $0x9C00;
	v12 =	vnsel vm5, $0xFF800000, v11;
	s4 =	sadd.s32 $0x10, s4  }
0x35: {  	s25 =	sshra.s32 s23, $0x2;
	s23 =	smov.u32 s24;
	[tilespmem:s6+$0x0] =	vst v12;
	v13 =	vsub.f32 v6, v7;
	vm5 =	vgt.f32 v12, v10;
	v6 =	vor.u32 s4, v0  }
0x36: {  	v11 =	vld [tilespmem:s25+$0x0];
	v10 =	vsel vm5, v12, v10;
	v9 =	vsel vm5, v6, v9  }
.Ltmp0:
0x37: {  	v6 =	vld [tilespmem:s25+$0x7800];
	v8 =	vsub.f32 v5, v8;
	(pc) =	sbr.rel @p1 .LBB2_2-.Ltmp0, $4  }
0x38: {  	v7 =	vld [tilespmem:s25+$0x2800]  }
0x39: {  	v5 =	vld [tilespmem:s25+$0xA000];
	v12 =	vmul.f32 v8, v13  }
0x3a: {  	v8 =	vld [tilespmem:s25+$0x5000]  }
0x3b: {  	s24 =	sadd.s32 $0x200, s24;
	vm5 =	vgt.f32 v11, $5.000000070e-02;
	[tilespmem:s6+$0xC800] =	vst v12;
	s6 =	smov.u32 s25  }
0x3c: {  	v11 =	vnsel vm5, $0xFF800000, v11  }
0x3d: {  	s23 =	sshra.s32 s23, $0x2;
	[tilespmem:s6+$0x0] =	vst v11  }
0x3e: {  	v12 =	vld [tilespmem:s23+$0x0];
	_ =	sdelay $0x4  }
0x3f: {  	vm5 =	vgt.f32 v11, v10;
	vm6 =	vgt.f32 v12, $5.000000070e-02  }
0x40: {  	v10 =	vsel vm5, v11, v10;
	v55 =	vnsel vm6, $0xFF800000, v12  }
0x41: {  	vm6 =	vgt.f32 v55, v10  }
0x42: {  	v10 =	vsel vm6, v55, v10  }
0x43: {  	(xrf0) =	vmax.scan.msk.f32 $0xffff, v10;
	_ =	sdelay $0x4  }
0x44: {  	s4 =	sadd.s32 $0x10, s4  }
0x45: {  	v56 =	vor.u32 s4, v0;
	s4 =	sadd.s32 $0x10, s4;
	v13, _, _ =	vpop (xrf0)  }
0x46: {  	v9 =	vsel vm5, v56, v9;
	v57 =	vor.u32 s4, v0;
	v13 =	vbroadcast v13, $0xF  }
0x47: {  	v9 =	vsel vm6, v57, v9  }
0x48: {  	v9 =	vxor.u32 $0x80000000, v9;
	vm5 =	veq.f32 v10, v13  }
0x49: {  	v9 =	vnsel vm5, $0xC0000000, v9  }
0x4a: {  	(xrf0) =	vmin.scan.msk.u32 $0xffff, v9;
	_ =	sdelay $0x5  }
0x4b: {  	v9, _, _ =	vpop (xrf0)  }
0x4c: {  	(v2sf) =	vpush v9, $0xF;
	_ =	sdelay $0xb  }
0x4d: {  	v58 =	vld [tilespmem:s23+$0x7800]  }
0x4e: {  	v59 =	vld [tilespmem:s23+$0x2800]  }
0x4f: {  	v60 =	vld [tilespmem:s23+$0xA000]  }
0x50: {  	v14 =	vld [tilespmem:s23+$0x5000];
	s31 =	spop (v2sf)  }
0x51: {  	s4 =	sxor.u32 $0x80000000, s31  }
0x52: {  	v6 =	vsub.f32 v6, v7;
	v5 =	vsub.f32 v5, v8;
	v7 =	vsub.s32 s4, v1  }
0x53: {  	v61 =	vmov s4;
	v7 =	vshll.u32 v7, $0x3  }
0x54: {  	v5 =	vmul.f32 v5, v6;
	v6 =	vand.u32 $0xF, v61;
	v7 =	vand.u32 $0xFFFFFF80, v7  }
0x55: {  	v62 =	vsub.f32 v60, v14;
	v9 =	vsub.f32 v58, v59;
	v6 =	vor.u32 v6, v7;
	_ =	sdelay $0x1  }
0x56: {  	[tilespmem:s6+$0xC800] =	vst v5;
	v5 =	vmul.f32 v62, v9  }
0x57: {  	[tilespmem:s23+$0x0] =	vst v55  }
0x58: {  	[tilespmem:s23+$0xC800] =	vst v5  }
0x59: {  	v5 =	vld.idx.msk [tilespmem:v6+s16+$0x0], $0xffff  }
0x5a: {  	v7 =	vld.idx.msk [tilespmem:v6+s17+$0x0], $0xffff  }
0x5b: {  	v63 =	vld.idx.msk [tilespmem:v6+s15+$0x0], $0xffff  }
0x5c: {  	v6 =	vld.idx.msk [tilespmem:v6+s14+$0x0], $0xffff;
	_ =	sdelay $0x2  }
0x5d: {  	v5 =	vsel vm0, v7, v5  }
0x5e: {  	[tilespmem:$0xF000] =	vst v13;
	v5 =	vsel vm1, v5, v63  }
0x5f: {  	[tilespmem:$0xF010] =	vst v61;
	v5 =	vsel vm2, v6, v5  }
0x60: {  	[tilespmem:$0xF020] =	vst v5  }
0x61: {  	[spmem:s11] =	stream.linear.scatter [tilespmem:s19], [sflag:$0x2], $0x80, $0x38;
	[tilespmem:$0x12D80] =	vst v63  }
0x62: {  	_ =	swait.ge [sflag:s20], $0x80  }
0x63: {  	[sflag:s20] =	ssyncset.done $0x0  }
0x64: {  	s24 =	simm.s32 $0x0;
	s23 =	simm.s32 $0x0;
	[sflag:s20] =	ssyncadd.s32 $0xFFFFFF80  }
.LBB2_4:
0x65: {  	s4 =	sshll.u32 s24, $0x4  }
0x66: {  	s25 =	sand.u32 $0x10, s4  }
0x67: {  	s4 =	sshll.u32 s25, $0x7  }
0x68: {  	[bflag:$0x0] =	sbarrier.arrive $0xFFFF;
	s4 =	sadd.s32 s4, s2  }
0x69: {  	[tilespmem:s21], [sflag:$0x2] =	stream.linear.gather [spmem:s4], $0x800, $0x38;
	[tilespmem:$0x12D80] =	vst v63  }
0x6a: {  	_ =	swait.ge [sflag:s20], $0x800  }
0x6b: {  	[sflag:s20] =	ssyncset.done $0x0  }
0x6c: {  	[sflag:s20] =	ssyncadd.s32 $0xFFFFF800  }
0x6d: {  	v5 =	vld.idx.msk [tilespmem:v2+s21+$0x0], $0xffff;
	_ =	sdelay $0x4  }
0x6e: {  	(xrf0) =	vmax.scan.msk.f32 $0xffff, v5;
	_ =	sdelay $0x3  }
0x6f: {  	v6 =	vld.idx.msk [tilespmem:v3+s21+$0x0], $0xffff;
	_ =	sdelay $0x1  }
0x70: {  	v7, _, _ =	vpop (xrf0)  }
0x71: {  	v9 =	vbroadcast v7, $0xF;
	_ =	sdelay $0x1  }
0x72: {  	vm5 =	veq.f32 v5, v9;
	v5 =	vxor.u32 $0x80000000, v6  }
0x73: {  	v5 =	vnsel vm5, $0xC0000000, v5  }
0x74: {  	(xrf0) =	vmin.scan.msk.u32 $0xffff, v5;
	_ =	sdelay $0x5  }
0x75: {  	v5, _, _ =	vpop (xrf0)  }
0x76: {  	(v2sf) =	vpush v5, $0xF;
	_ =	sdelay $0xe  }
0x77: {  	s6 =	spop (v2sf)  }
0x78: {  	s4 =	sxor.u32 $0x80000000, s6  }
0x79: {  	v8 =	vmov s4  }
0x7a: {  	v5 =	vmul.u32 $0x67B3, v8;
	_ =	sdelay $0x1  }
0x7b: {  	v5 =	vshrl.u32 v5, $0x12  }
0x7c: {  	v5 =	vand.u32 $0x3F80, v5  }
0x7d: {  	v6 =	vor.u32 $0x23, v5  }
0x7e: {  	v7 =	vor.u32 $0x22, v5  }
0x7f: {  	v10 =	vor.u32 $0x21, v5  }
0x80: {  	v11 =	vor.u32 $0x20, v5  }
0x81: {  	v12 =	vsub.s32 s4, v1  }
0x82: {  	vm5 =	vgt.s32 v12, $0x0;
	v5 =	vld.idx.msk [tilespmem:v6+s21+$0x0], $0xffff  }
0x83: {  	p1 =	slt.s32 s4, s12;
	v12 =	vnsel vm5, $0x0, v12;
	vm5 =	vmmov vm4;
	v6 =	vld.idx.msk [tilespmem:v7+s21+$0x0], $0xffff  }
0x84: {  	vm6 =	vge.s32 v8, v1;
	vm5 =	vmneg @p1 vm5;
	v7 =	vld.idx.msk [tilespmem:v10+s21+$0x0], $0xffff;
	v10 =	vmin.u32 v12, $0x4EF  }
0x85: {  	vm5 =	vmand vm6, vm5;
	v8 =	vld.idx.msk [tilespmem:v11+s21+$0x0], $0xffff;
	v11 =	vshll.u32 v10, $0x3  }
0x86: {  	vm5 =	vmand vm5, vm2;
	v10 =	vand.u32 $0xF, v10;
	v11 =	vand.u32 $0x3F80, v11  }
0x87: {  	v10 =	vor.u32 v10, v11;
	v9 =	vsel vm3, v9, v5  }
0x88: {  	v9 =	vsel vm0, v9, v6  }
0x89: {  	s26 =	sshll.u32 s24, $0x7;
	v9 =	vsel vm1, v9, v7  }
0x8a: {  	s4 =	sand.u32 $0x3FFFFF80, s26;
	v9 =	vsel vm2, v8, v9  }
0x8b: {  	v11 =	vimm.f32 $-Inf;
	[tilespmem:s4+$0xF980] =	vst v9  }
0x8c: {  	s6 =	simm.s32 $0x0;
	[tilespmem:v10+s23+$0x0] =	vst.idx.msk vm5, v11  }
0x8d: {  	v9 =	vld [tilespmem:s6+$0x2800]  }
0x8e: {  	v10 =	vld [tilespmem:s6+$0x5000]  }
0x8f: {  	v12 =	vld [tilespmem:s6+$0x7800]  }
0x90: {  	v13 =	vld [tilespmem:s6+$0xA000];
	_ =	sdelay $0x2  }
0x91: {  	s28 =	simm.s32 $0x80;
	v14 =	vld [tilespmem:s6+$0xC800]  }
0x92: {  	v15 =	vsub.f32 v6, v8;
	v16 =	vsub.f32 v5, v7;
	v17 =	vld [tilespmem:s28+$0x2800];
	v9 =	vmax.f32 v8, v9  }
0x93: {  	v18 =	vld [tilespmem:s28+$0x5000];
	v12 =	vmin.f32 v6, v12;
	v10 =	vmax.f32 v7, v10;
	v13 =	vmin.f32 v5, v13  }
0x94: {  	v19 =	vld [tilespmem:s28+$0x7800];
	v12 =	vsub.f32 v12, v9;
	v10 =	vsub.f32 v13, v10  }
0x95: {  	v9 =	vmul.f32 v16, v15;
	v13 =	vld [tilespmem:s28+$0xA000]  }
0x96: {  	v12 =	vmax.f32 v12, $0.0e+00;
	v10 =	vmax.f32 v10, $0.0e+00  }
0x97: {  	s26 =	simm.s32 $0x100;
	v10 =	vmul.f32 v10, v12;
	v12 =	vadd.f32 v14, v9  }
0x98: {  	v16 =	vld [tilespmem:s26+$0x2800]  }
0x99: {  	v15 =	vmax.f32 v8, v17;
	v17 =	vmin.f32 v6, v19;
	v14 =	vld [tilespmem:s28+$0xC800];
	v12 =	vsub.f32 v12, v10  }
0x9a: {  	v18 =	vmax.f32 v7, v18;
	v19 =	vld [tilespmem:s26+$0x5000];
	v15 =	vsub.f32 v17, v15;
	v13 =	vmin.f32 v5, v13  }
0x9b: {  	v17 =	vld [tilespmem:s26+$0x7800];
	v13 =	vsub.f32 v13, v18;
	v12 =	vadd.f32 $9.999999970e-07, v12  }
0x9c: {  	v18 =	vld [tilespmem:s26+$0xA000]  }
0x9d: {  	v15 =	vmax.f32 v15, $0.0e+00;
	v13 =	vmax.f32 v13, $0.0e+00;
	(erf) = vrcp.f32 v12  }
0x9e: {  	v20 =	vmul.f32 v13, v15;
	v12 =	vadd.f32 v14, v9  }
0x9f: {  	s30 =	simm.s32 $0x180;
	v13 =	vld [tilespmem:s26+$0xC800]  }
0xa0: {  	v14 =	vmax.f32 v8, v16;
	v15 =	vld [tilespmem:s30+$0x2800];
	v16 =	vmin.f32 v6, v17;
	v12 =	vsub.f32 v12, v20  }
0xa1: {  	v19 =	vmax.f32 v7, v19;
	v17 =	vld [tilespmem:s30+$0x5000];
	v14 =	vsub.f32 v16, v14;
	v18 =	vmin.f32 v5, v18  }
0xa2: {  	v16 =	vld [tilespmem:s30+$0x7800];
	v18 =	vsub.f32 v18, v19;
	v12 =	vadd.f32 $9.999999970e-07, v12  }
0xa3: {  	s31 =	simm.s32 $0x200;
	v19 =	vld [tilespmem:s30+$0xA000]  }
0xa4: {  	v22 =	vld [tilespmem:s31+$0x2800];
	v14 =	vmax.f32 v14, $0.0e+00;
	v18 =	vmax.f32 v18, $0.0e+00;
	(erf) = vrcp.f32 v12  }
0xa5: {  	v13 =	vadd.f32 v13, v9;
	v12 =	vmul.f32 v18, v14;
	v14 =	vld [tilespmem:s6+$0x0]  }
0xa6: {  	v23 =	vld [tilespmem:s31+$0x7800];
	v15 =	vmax.f32 v8, v15;
	v21 =	vpop (erf)  }
0xa7: {  	v18 =	vld [tilespmem:s30+$0xC800];
	v16 =	vmin.f32 v6, v16;
	v13 =	vsub.f32 v13, v12;
	v10 =	vmul.f32 v21, v10  }
0xa8: {  	v24 =	vld [tilespmem:s31+$0xA000];
	v17 =	vmax.f32 v7, v17;
	v15 =	vsub.f32 v16, v15;
	v19 =	vmin.f32 v5, v19  }
0xa9: {  	v16 =	vsub.f32 v19, v17;
	v13 =	vadd.f32 $9.999999970e-07, v13;
	vm5 =	vgt.f32 v10, $5.000000000e-01  }
0xaa: {  	v21 =	vld [tilespmem:s31+$0x5000];
	v10 =	vsel vm5, $0xFF800000, v14  }
0xab: {  	(erf) = vrcp.f32 v13;
	v14 =	vmax.f32 v15, $0.0e+00;
	v15 =	vmax.f32 v16, $0.0e+00;
	[tilespmem:s6+$0x0] =	vst v10  }
0xac: {  	v25 =	vmax.f32 v8, v22;
	v13 =	vmul.f32 v15, v14;
	v14 =	vadd.f32 v18, v9;
	v17 =	vld [tilespmem:s28+$0x0]  }
0xad: {  	s29 =	simm.s32 $0x280;
	v23 =	vmin.f32 v6, v23;
	v22 =	vmin.f32 v5, v24;
	vm5 =	vgt.f32 v10, v11;
	v16 =	vld [tilespmem:s31+$0xC800];
	v19 =	vpop (erf)  }
0xae: {  	v11 =	vsel vm5, v10, v11;
	v15 =	vld [tilespmem:s29+$0x2800];
	v18 =	vsub.f32 v14, v13;
	v19 =	vmul.f32 v19, v20  }
0xaf: {  	s4 =	simm.s32 $0xC00;
	s6 =	smov.u32 s0;
	v10 =	vsel vm5, v4, v1;
	v21 =	vmax.f32 v7, v21;
	v14 =	vld [tilespmem:s29+$0x5000];
	v20 =	vsub.f32 v23, v25  }
.LBB2_5:
0xb0: {  	p1 =	sne.s32 s4, $0x9C00;
	v23 =	vld [tilespmem:s29+$0x7800];
	v21 =	vsub.f32 v22, v21;
	v18 =	vadd.f32 $9.999999970e-07, v18;
	vm5 =	vgt.f32 v19, $5.000000000e-01;
	s6 =	sadd.s32 $0x10, s6  }
0xb1: {  	v22 =	vld [tilespmem:s29+$0xA000];
	v19 =	vmax.f32 v20, $0.0e+00;
	v20 =	vor.u32 s6, v0;
	v24 =	vsel vm5, $0xFF800000, v17  }
.Ltmp1:
0xb2: {  	v17 =	vmax.f32 v21, $0.0e+00;
	(erf) = vrcp.f32 v18;
	[tilespmem:s28+$0x0] =	vst v24;
	vm5 =	vgt.f32 v24, v11;
	s28 =	smov.u32 s26;
	s26 =	smov.u32 s30;
	(pc) =	sbr.rel @p1 .LBB2_5-.Ltmp1, $4  }
0xb3: {  	v18 =	vadd.f32 v16, v9;
	s30 =	smov.u32 s31;
	s31 =	smov.u32 s29;
	v25 =	vmul.f32 v17, v19;
	v17 =	vld [tilespmem:s28+$0x0];
	v11 =	vsel vm5, v24, v11  }
0xb4: {  	s29 =	sshra.s32 s4, $0x2;
	v24 =	vmax.f32 v8, v15;
	v10 =	vsel vm5, v20, v10;
	v16 =	vld [tilespmem:s31+$0xC800];
	v19 =	vpop (erf)  }
0xb5: {  	v15 =	vld [tilespmem:s29+$0x2800];
	v20 =	vmin.f32 v6, v23;
	v18 =	vsub.f32 v18, v25;
	v19 =	vmul.f32 v19, v12;
	v12 =	vmovc v13  }
0xb6: {  	s4 =	sadd.s32 $0x200, s4;
	v21 =	vmax.f32 v7, v14;
	v13 =	vmovc v25;
	v14 =	vld [tilespmem:s29+$0x5000];
	v22 =	vmin.f32 v5, v22;
	v20 =	vsub.f32 v20, v24  }
0xb7: {  	v23 =	vld [tilespmem:s29+$0x7800];
	v21 =	vsub.f32 v22, v21;
	v18 =	vadd.f32 $9.999999970e-07, v18;
	vm5 =	vgt.f32 v19, $5.000000000e-01  }
0xb8: {  	v46 =	vld [tilespmem:s29+$0xA000];
	v17 =	vsel vm5, $0xFF800000, v17  }
0xb9: {  	v20 =	vmax.f32 v20, $0.0e+00;
	v21 =	vmax.f32 v21, $0.0e+00;
	(erf) = vrcp.f32 v18;
	[tilespmem:s28+$0x0] =	vst v17  }
0xba: {  	v16 =	vadd.f32 v16, v9;
	v47 =	vmul.f32 v21, v20;
	v48 =	vld [tilespmem:s26+$0x0]  }
0xbb: {  	v8 =	vmax.f32 v8, v15;
	v49 =	vpop (erf)  }
0xbc: {  	v50 =	vld [tilespmem:s29+$0xC800];
	v6 =	vmin.f32 v6, v23;
	v16 =	vsub.f32 v16, v47;
	v12 =	vmul.f32 v49, v12  }
0xbd: {  	v7 =	vmax.f32 v7, v14;
	v5 =	vmin.f32 v5, v46;
	v6 =	vsub.f32 v6, v8  }
0xbe: {  	v5 =	vsub.f32 v5, v7;
	v7 =	vadd.f32 $9.999999970e-07, v16;
	vm5 =	vgt.f32 v12, $5.000000000e-01  }
0xbf: {  	v51 =	vsel vm5, $0xFF800000, v48  }
0xc0: {  	v6 =	vmax.f32 v6, $0.0e+00;
	v5 =	vmax.f32 v5, $0.0e+00;
	(erf) = vrcp.f32 v7;
	[tilespmem:s26+$0x0] =	vst v51  }
0xc1: {  	v5 =	vmul.f32 v5, v6;
	v6 =	vadd.f32 v50, v9;
	v7 =	vld [tilespmem:s30+$0x0]  }
0xc2: {  	v52 =	vpop (erf)  }
0xc3: {  	v6 =	vsub.f32 v6, v5;
	v9 =	vmul.f32 v52, v13;
	_ =	sdelay $0x1  }
0xc4: {  	v6 =	vadd.f32 $9.999999970e-07, v6;
	vm5 =	vgt.f32 v9, $5.000000000e-01  }
0xc5: {  	v7 =	vsel vm5, $0xFF800000, v7  }
0xc6: {  	(erf) = vrcp.f32 v6;
	[tilespmem:s30+$0x0] =	vst v7  }
0xc7: {  	v6 =	vld [tilespmem:s31+$0x0]  }
0xc8: {  	v53 =	vpop (erf)  }
0xc9: {  	v9 =	vmul.f32 v53, v47;
	_ =	sdelay $0x1  }
0xca: {  	vm5 =	vgt.f32 v9, $5.000000000e-01  }
0xcb: {  	vm6 =	vgt.f32 v17, v11;
	v6 =	vsel vm5, $0xFF800000, v6  }
0xcc: {  	v54 =	vsel vm6, v17, v11;
	[tilespmem:s31+$0x0] =	vst v6  }
0xcd: {  	vm5 =	vgt.f32 v51, v54;
	v55 =	vld [tilespmem:s29+$0x0]  }
0xce: {  	v8 =	vsel vm5, v51, v54;
	v56 =	vpop (erf)  }
0xcf: {  	vm7 =	vgt.f32 v7, v8;
	v5 =	vmul.f32 v56, v5  }
0xd0: {  	v7 =	vsel vm7, v7, v8  }
0xd1: {  	vm8 =	vgt.f32 v6, v7;
	vm9 =	vgt.f32 v5, $5.000000000e-01  }
0xd2: {  	v5 =	vsel vm8, v6, v7;
	v6 =	vsel vm9, $0xFF800000, v55  }
0xd3: {  	vm9 =	vgt.f32 v6, v5  }
0xd4: {  	v5 =	vsel vm9, v6, v5  }
0xd5: {  	(xrf0) =	vmax.scan.msk.f32 $0xffff, v5;
	_ =	sdelay $0x1  }
0xd6: {  	s4 =	sadd.s32 $0x10, s6  }
0xd7: {  	v7 =	vor.u32 s4, v0;
	s4 =	sadd.s32 $0x10, s4  }
0xd8: {  	v7 =	vsel vm6, v7, v10;
	v57 =	vor.u32 s4, v0;
	s4 =	sadd.s32 $0x10, s4  }
0xd9: {  	v7 =	vsel vm5, v57, v7;
	v58 =	vor.u32 s4, v0;
	s4 =	sadd.s32 $0x10, s4  }
0xda: {  	v7 =	vsel vm7, v58, v7;
	v59 =	vor.u32 s4, v0;
	s4 =	sadd.s32 $0x10, s4;
	v60, _, _ =	vpop (xrf0)  }
0xdb: {  	v7 =	vsel vm8, v59, v7;
	v61 =	vor.u32 s4, v0;
	v9 =	vbroadcast v60, $0xF  }
0xdc: {  	v7 =	vsel vm9, v61, v7  }
0xdd: {  	vm5 =	veq.f32 v5, v9;
	v5 =	vxor.u32 $0x80000000, v7  }
0xde: {  	v5 =	vnsel vm5, $0xC0000000, v5  }
0xdf: {  	(xrf0) =	vmin.scan.msk.u32 $0xffff, v5;
	_ =	sdelay $0x5  }
0xe0: {  	v5, _, _ =	vpop (xrf0)  }
0xe1: {  	(v2sf) =	vpush v5, $0xF;
	_ =	sdelay $0xe  }
0xe2: {  	s30 =	spop (v2sf)  }
0xe3: {  	s4 =	sxor.u32 $0x80000000, s30  }
0xe4: {  	v5 =	vsub.s32 s4, v1  }
0xe5: {  	v7 =	vmov s4;
	v5 =	vshll.u32 v5, $0x3  }
0xe6: {  	v62 =	vand.u32 $0xF, v7;
	v5 =	vand.u32 $0xFFFFFF80, v5  }
0xe7: {  	v5 =	vor.u32 v62, v5;
	_ =	sdelay $0x3  }
0xe8: {  	[tilespmem:s29+$0x0] =	vst v6  }
0xe9: {  	v6 =	vld.idx.msk [tilespmem:v5+s16+$0x0], $0xffff  }
0xea: {  	v8 =	vld.idx.msk [tilespmem:v5+s17+$0x0], $0xffff  }
0xeb: {  	v63 =	vld.idx.msk [tilespmem:v5+s15+$0x0], $0xffff  }
0xec: {  	v5 =	vld.idx.msk [tilespmem:v5+s14+$0x0], $0xffff;
	_ =	sdelay $0x1  }
0xed: {  	s31 =	ssub.s32 s1, s25  }
0xee: {  	s4 =	sshll.u32 s31, $0x9;
	v6 =	vsel vm0, v8, v6  }
0xef: {  	s24 =	sadd.s32 $0x1, s24;
	s4 =	sshra.s32 s4, $0x2;
	[tilespmem:$0xF000] =	vst v9;
	v6 =	vsel vm1, v6, v63  }
0xf0: {  	p1 =	sne.s32 s24, $0x64;
	s4 =	sadd.s32 s4, s2;
	[tilespmem:$0xF010] =	vst v7;
	v5 =	vsel vm2, v5, v6  }
.Ltmp2:
0xf1: {  	s4 =	sadd.s32 $0x800, s4;
	[tilespmem:$0xF020] =	vst v5;
	(pc) =	sbr.rel @p1 .LBB2_4-.Ltmp2, $4  }
0xf2: {  	[spmem:s4] =	stream.linear.scatter [tilespmem:s19], [sflag:$0x2], $0x80, $0x38;
	[tilespmem:$0x12D80] =	vst v63  }
0xf3: {  	_ =	swait.ge [sflag:s20], $0x80  }
0xf4: {  	[sflag:s20] =	ssyncset.done $0x0  }
0xf5: {  	[sflag:s20] =	ssyncadd.s32 $0xFFFFFF80  }
0xf6: {  	s4 =	simm.s32 @!p0 $0x0  }
0xf7: {  	s6 =	simm.s32 @!p0 $0xF980;
	s23 =	rddreg [dreg:$0x3];
	s22 =	sadd.s32 $0x1, s22  }
0xf8: {  	[hbm4b:s23+s4] =	stream.linear.scatter @!p0 [tilespmem:s6], [sflag:$0x2], $0x3200, $0x38;
	[tilespmem:$0x12D80] =	vst v63  }
0xf9: {  	p1 =	sne.s32 s22, s13  }
.Ltmp3:
0xfa: {  	_ = 	snop;
	(pc) =	sbr.rel @p1 .LBB2_1-.Ltmp3, $4  }
0xfb: {  	s4 =	simm.s32 @!p0 $0x2  }
0xfc: {  	_ =	swait.ge @!p0 [sflag:s4], $0x3200  }
0xfd: {  	[sflag:s4] =	ssyncset.done @!p0 $0x0  }
0xfe: {  	[sflag:s4] =	ssyncadd.s32 @!p0 $0xFFFFCE00  }
0xff: {  	_ =	sfence.sel $0x180000  }
0x100: {  	[bflag:$0x0] =	sbarrier.arrive $0xFFFF  }
0x101: {  	_ =	strace $0x90000047  }
0x102: {  	[bflag:$0x2] =	sbarrier.arrive $0xFFFF  }
0x103: {  	p0 =	sne.s32 s1, $0x0;
	s0 =	rddreg [dreg:$0x2]  }
0x104: {  	s0 =	sadd.s32 @!p0 $0x100000, s0  }
0x105: {  	[sflag:s0] =	ssyncadd.tile.s32 @!p0 $0x1;
	_ =	shalt  }
.Lfunc_end2:
_tile_overlayer_lowered:
.L_overlay_start_2:
0x106: {  	(tag) =	ssettag $0x2  }
0x107: {  	s0 =	rddreg [dreg:$0x0];
	s2 =	stileid.u32  }
0x108: {  	s1 =	rddreg [dreg:$0x1];
	p0 =	sne.s32 s2, $0x0  }
0x109: {  	s3 =	rddreg [dreg:$0x2];
	[bflag:$0x3] =	sbarrier.arrive $0xFFFF;
	s2 =	simm.s32 @!p0 $0x1C02  }
0x10a: {  	[timem:s3], [sflag:s2] =	dma.local @!p0 [hbm:s0], s1  }
0x10b: {  	s0 =	simm.s32 @!p0 $0x2  }
0x10c: {  	_ =	swait.ge @!p0 [sflag:s0], s1  }
0x10d: {  	s1 =	ssub.s32 @!p0 $0x0, s1;
	[sflag:s0] =	ssyncset.done @!p0 $0x0  }
0x10e: {  	[sflag:s0] =	ssyncadd.s32 @!p0 s1  }
0x10f: {  	[bflag:$0x3] =	sbarrier.arrive $0xFFFF  }
0x110: {  	_ =	shalt  }

</sc_bundles>
